<compile_context>
chip_gen: v7x
topology: tpu7x:2x2x1
jax: 0.10.2.dev20260603
libtpu: 0.0.44.dev20260713+nightly
codegen_flags: <defaults>
</compile_context>

<pallas_src>
import functools
import math

import jax
import jax.numpy as jnp
from jax import lax
from jax.experimental import pallas as pl
from jax.experimental.pallas import tpu as pltpu
from jax.experimental.pallas import tpu_sc as plsc

VOCAB = 1000000
EMB = 64
SCALE = math.sqrt(EMB)

_NUM_CORES = 2
_NUM_SUBCORES = 16
_NW = _NUM_CORES * _NUM_SUBCORES

_BATCH = 4096
_SEQ = 200
_B_PER_W = _BATCH // _NW
_NBUF = 4
_LOOKAHEAD = 2


def _sc_embed(tokens, table):
    mesh = plsc.VectorSubcoreMesh(
        core_axis_name="c", subcore_axis_name="s")

    @functools.partial(
        pl.kernel,
        out_type=jax.ShapeDtypeStruct((_BATCH, _SEQ, EMB), jnp.float32),
        mesh=mesh,
        scratch_types=[
            pltpu.VMEM((_B_PER_W, _SEQ), jnp.int32),
            [pltpu.VMEM((_SEQ, EMB), jnp.float32)] * _NBUF,
            [pltpu.SemaphoreType.DMA] * _NBUF,
            [pltpu.SemaphoreType.DMA] * _NBUF,
        ],
        compiler_params=pltpu.CompilerParams(use_tc_tiling_on_sc=False),
    )
    def body(tok_hbm, table_hbm, out_hbm, idx_all, rows, gsem, wsem):
        wid = lax.axis_index("s") * _NUM_CORES + lax.axis_index("c")
        base = wid * _B_PER_W

        pltpu.sync_copy(tok_hbm.at[pl.ds(base, _B_PER_W)], idx_all)

        def gather(g, b):
            return pltpu.make_async_copy(
                table_hbm.at[idx_all.at[g]], rows[b], gsem[b])

        def write(g, b):
            return pltpu.make_async_copy(
                rows[b], out_hbm.at[base + g], wsem[b])

        def scale(b):
            r = rows[b]

            @plsc.parallel_loop(0, _SEQ, unroll=8)
            def _(i):
                for j in range(EMB // 16):
                    sl = pl.ds(j * 16, 16)
                    r[i, sl] = r[i, sl] * SCALE

        def step(g, p, wait_write, prefetch):
            gather(g, p).wait()
            scale(p)
            write(g, p).start()
            if prefetch:
                f = g + _LOOKAHEAD
                q = (p + _LOOKAHEAD) % _NBUF
                if wait_write:
                    write(f - _NBUF, q).wait()
                gather(f, q).start()

        for j in range(_LOOKAHEAD):
            gather(j, j).start()
        for g in range(_NBUF - _LOOKAHEAD):
            step(g, g % _NBUF, wait_write=False, prefetch=True)
        head = _NBUF - _LOOKAHEAD
        nblocks = (_B_PER_W - _NBUF) // _NBUF

        def block(G, carry):
            for b in range(_NBUF):
                g = head + G * _NBUF + b
                step(g, (head + b) % _NBUF, wait_write=True, prefetch=True)
            return carry

        lax.fori_loop(0, nblocks, block, 0)
        for g in range(_B_PER_W - _LOOKAHEAD, _B_PER_W):
            step(g, g % _NBUF, wait_write=False, prefetch=False)
        for b in range(_NBUF):
            g = _B_PER_W - _NBUF + b
            write(g, g % _NBUF).wait()

    return body(tokens, table)


def kernel(tokens, table):
    return _sc_embed(tokens.astype(jnp.int32), table)

# --- scband reference (transcript-rebuilt; emitter-appended) ---
"""Pipeline reference for scband-token-embedding-9466107920796 (READ-ONLY COPY).

The authoritative reference and input builder live on the scoring server;
editing this copy changes nothing except your own understanding.
"""

import jax, jax.numpy as jnp
import numpy as np
import math

VOCAB = 1000000
EMB = 64

def setup_inputs(seed: int = 0) -> dict:
    key = jax.random.key(seed)
    k1, k2 = jax.random.split(key)
    tokens = jax.random.randint(k1, (4096, 200), 0, VOCAB, dtype=jnp.int64 if jax.config.jax_enable_x64 else jnp.int32)
    table = jax.random.normal(k2, (VOCAB, EMB), dtype=jnp.float32)
    return {"tokens": tokens, "table": table}

def reference(tokens, table):
    # nn.Embedding lookup followed by scaling by sqrt(emb_size)
    emb = jnp.take(table, tokens, axis=0)
    return emb * math.sqrt(EMB)

if __name__ == "__main__":
    import jax
    _d = setup_inputs()
    print(jax.jit(kernel)(*tuple(_d.values())))

</pallas_src>

<mosaic_0001>
#map = affine_map<(d0, d1) -> (0, 0)>
#map1 = affine_map<(d0, d1) -> (0, 0, 0)>
module attributes {stable_mosaic.version = 14 : i64} {
  func.func @body(%arg0: i32, %arg1: i32, %arg2: memref<4096x200xi32, #tpu.memory_space<hbm>>, %arg3: memref<1000000x64xf32, #tpu.memory_space<hbm>>, %arg4: memref<4096x200x64xf32, #tpu.memory_space<hbm>>, %arg5: memref<128x200xi32, #tpu.memory_space<vmem>>, %arg6: memref<200x64xf32, #tpu.memory_space<vmem>>, %arg7: memref<200x64xf32, #tpu.memory_space<vmem>>, %arg8: memref<200x64xf32, #tpu.memory_space<vmem>>, %arg9: memref<200x64xf32, #tpu.memory_space<vmem>>, %arg10: memref<!tpu.dma_semaphore, #tpu.memory_space<semaphore_mem>>, %arg11: memref<!tpu.dma_semaphore, #tpu.memory_space<semaphore_mem>>, %arg12: memref<!tpu.dma_semaphore, #tpu.memory_space<semaphore_mem>>, %arg13: memref<!tpu.dma_semaphore, #tpu.memory_space<semaphore_mem>>, %arg14: memref<!tpu.dma_semaphore, #tpu.memory_space<semaphore_mem>>, %arg15: memref<!tpu.dma_semaphore, #tpu.memory_space<semaphore_mem>>, %arg16: memref<!tpu.dma_semaphore, #tpu.memory_space<semaphore_mem>>, %arg17: memref<!tpu.dma_semaphore, #tpu.memory_space<semaphore_mem>>) attributes {dimension_semantics = [#tpu.dimension_semantics<core_parallel>, #tpu.dimension_semantics<subcore_parallel>], iteration_bounds = array<i64: 2, 16>, scalar_prefetch = 0 : i64, scratch_operands = 13 : i64, tpu.core_type = #tpu.core_type<sc_vector_subcore>, window_params = [{transform_indices = #map}, {transform_indices = #map}, {transform_indices = #map1}]} {
    %mul3A = arith.constant 2 : i32
    %mul3A_0 = arith.muli %arg1, %mul3A : i32
    %add3A = arith.addi %mul3A_0, %arg0 : i32
    %mul3A_1 = arith.constant 128 : i32
    %mul3A_2 = arith.muli %add3A, %mul3A_1 : i32
    "tpu.region"() ({
      %run_scoped3A = tpu.sem_alloc : memref<!tpu.dma_semaphore, #tpu.memory_space<semaphore_mem>>
      %dma_start3A_153 = arith.constant 0 : i32
      %dma_start3A_154 = tpu.memref_slice %arg2[%mul3A_2, %dma_start3A_153] : memref<4096x200xi32, #tpu.memory_space<hbm>> -> memref<128x200xi32, #tpu.memory_space<hbm>>
      %dma_start3A_155 = arith.constant 0 : i32
      %dma_start3A_156 = tpu.memref_slice %arg2[%mul3A_2, %dma_start3A_155] : memref<4096x200xi32, #tpu.memory_space<hbm>> -> memref<128x200xi32, #tpu.memory_space<hbm>>
      tpu.enqueue_dma source(%dma_start3A_156 : memref<128x200xi32, #tpu.memory_space<hbm>>) target(%arg5 : memref<128x200xi32, #tpu.memory_space<vmem>>) target_semaphore(%run_scoped3A : memref<!tpu.dma_semaphore, #tpu.memory_space<semaphore_mem>>)
      %dma_wait3A_157 = arith.constant 0 : i32
      %dma_wait3A_158 = tpu.memref_slice %arg2[%mul3A_2, %dma_wait3A_157] : memref<4096x200xi32, #tpu.memory_space<hbm>> -> memref<128x200xi32, #tpu.memory_space<hbm>>
      %dma_wait3A_159 = arith.constant 0 : i32
      %dma_wait3A_160 = tpu.memref_slice %arg2[%mul3A_2, %dma_wait3A_159] : memref<4096x200xi32, #tpu.memory_space<hbm>> -> memref<128x200xi32, #tpu.memory_space<hbm>>
      tpu.wait_dma2 semaphore(%run_scoped3A : memref<!tpu.dma_semaphore, #tpu.memory_space<semaphore_mem>>) src(%dma_wait3A_160 : memref<128x200xi32, #tpu.memory_space<hbm>>) dst(%arg5 : memref<128x200xi32, #tpu.memory_space<vmem>>)
      tpu.yield
    }) : () -> ()
    %dma_start3A = arith.constant 0 : i32
    %dma_start3A_3 = arith.constant 0 : i32
    %dma_start3A_4 = tpu.memref_slice %arg5[%dma_start3A, %dma_start3A_3] : memref<128x200xi32, #tpu.memory_space<vmem>> -> memref<1x200xi32, #tpu.memory_space<vmem>>
    %dma_start3A_5 = tpu.memref_squeeze %dma_start3A_4 : memref<1x200xi32, #tpu.memory_space<vmem>> -> memref<200xi32, #tpu.memory_space<vmem>>
    %dma_start3A_6 = arith.constant 0 : i32
    %dma_start3A_7 = arith.constant 0 : i32
    %dma_start3A_8 = tpu.memref_slice %arg3[%dma_start3A_6, %dma_start3A_7] : memref<1000000x64xf32, #tpu.memory_space<hbm>> -> memref<1000000x64xf32, #tpu.memory_space<hbm>>
    tpu.enqueue_indirect_dma source(%dma_start3A_8 : memref<1000000x64xf32, #tpu.memory_space<hbm>>) target(%arg6 : memref<200x64xf32, #tpu.memory_space<vmem>>) offsets(%dma_start3A_5 : memref<200xi32, #tpu.memory_space<vmem>>) semaphore(%arg10 : memref<!tpu.dma_semaphore, #tpu.memory_space<semaphore_mem>>)
    %dma_start3A_9 = arith.constant 1 : i32
    %dma_start3A_10 = arith.constant 0 : i32
    %dma_start3A_11 = tpu.memref_slice %arg5[%dma_start3A_9, %dma_start3A_10] : memref<128x200xi32, #tpu.memory_space<vmem>> -> memref<1x200xi32, #tpu.memory_space<vmem>>
    %dma_start3A_12 = tpu.memref_squeeze %dma_start3A_11 : memref<1x200xi32, #tpu.memory_space<vmem>> -> memref<200xi32, #tpu.memory_space<vmem>>
    %dma_start3A_13 = arith.constant 0 : i32
    %dma_start3A_14 = arith.constant 0 : i32
    %dma_start3A_15 = tpu.memref_slice %arg3[%dma_start3A_13, %dma_start3A_14] : memref<1000000x64xf32, #tpu.memory_space<hbm>> -> memref<1000000x64xf32, #tpu.memory_space<hbm>>
    tpu.enqueue_indirect_dma source(%dma_start3A_15 : memref<1000000x64xf32, #tpu.memory_space<hbm>>) target(%arg7 : memref<200x64xf32, #tpu.memory_space<vmem>>) offsets(%dma_start3A_12 : memref<200xi32, #tpu.memory_space<vmem>>) semaphore(%arg11 : memref<!tpu.dma_semaphore, #tpu.memory_space<semaphore_mem>>)
    %dma_wait3A = arith.constant 0 : i32
    %dma_wait3A_16 = arith.constant 0 : i32
    %dma_wait3A_17 = tpu.memref_slice %arg5[%dma_wait3A, %dma_wait3A_16] : memref<128x200xi32, #tpu.memory_space<vmem>> -> memref<1x200xi32, #tpu.memory_space<vmem>>
    %dma_wait3A_18 = tpu.memref_squeeze %dma_wait3A_17 : memref<1x200xi32, #tpu.memory_space<vmem>> -> memref<200xi32, #tpu.memory_space<vmem>>
    %dma_wait3A_19 = arith.constant 0 : i32
    %dma_wait3A_20 = arith.constant 0 : i32
    %dma_wait3A_21 = tpu.memref_slice %arg3[%dma_wait3A_19, %dma_wait3A_20] : memref<1000000x64xf32, #tpu.memory_space<hbm>> -> memref<1000000x64xf32, #tpu.memory_space<hbm>>
    tpu.wait_indirect_dma semaphore(%arg10 : memref<!tpu.dma_semaphore, #tpu.memory_space<semaphore_mem>>) src(%dma_wait3A_21 : memref<1000000x64xf32, #tpu.memory_space<hbm>>) dst(%arg6 : memref<200x64xf32, #tpu.memory_space<vmem>>)
    %parallel_loop3A = arith.constant 0 : i32
    %parallel_loop3A_22 = arith.constant 200 : i32
    %parallel_loop3A_23 = arith.constant 1 : i32
    scf.for %parallel_loop3A_153 = %parallel_loop3A to %parallel_loop3A_22 step %parallel_loop3A_23  : i32 {
      %parallel_loop3A_154 = arith.index_cast %parallel_loop3A_153 : i32 to index
      %parallel_loop3A_155 = arith.constant 0 : index
      %parallel_loop3A_156 = tpu.vector_load %arg6[%parallel_loop3A_154, %parallel_loop3A_155] {strides = array<i32>} : memref<200x64xf32, #tpu.memory_space<vmem>>, vector<1x16xf32>,
      %parallel_loop3A_157 = vector.shape_cast %parallel_loop3A_156 : vector<1x16xf32> to vector<16xf32>
      %parallel_loop3A_158 = arith.constant 8.000000e+00 : f32
      %parallel_loop3A_159 = vector.broadcast %parallel_loop3A_158 : f32 to vector<16xf32>
      %parallel_loop3A_160 = arith.mulf %parallel_loop3A_157, %parallel_loop3A_159 : vector<16xf32>
      %parallel_loop3A_161 = arith.index_cast %parallel_loop3A_153 : i32 to index
      %parallel_loop3A_162 = arith.constant 0 : index
      %parallel_loop3A_163 = tpu.vector_load %arg6[%parallel_loop3A_161, %parallel_loop3A_162] {strides = array<i32>} : memref<200x64xf32, #tpu.memory_space<vmem>>, vector<1x16xf32>,
      %parallel_loop3A_164 = vector.shape_cast %parallel_loop3A_163 : vector<1x16xf32> to vector<16xf32>
      %parallel_loop3A_165 = vector.shape_cast %parallel_loop3A_160 : vector<16xf32> to vector<1x16xf32>
      tpu.vector_store %arg6[%parallel_loop3A_161, %parallel_loop3A_162], %parallel_loop3A_165 {strides = array<i32>} : memref<200x64xf32, #tpu.memory_space<vmem>>, vector<1x16xf32>,
      %parallel_loop3A_166 = arith.index_cast %parallel_loop3A_153 : i32 to index
      %parallel_loop3A_167 = arith.constant 16 : index
      %parallel_loop3A_168 = tpu.vector_load %arg6[%parallel_loop3A_166, %parallel_loop3A_167] {strides = array<i32>} : memref<200x64xf32, #tpu.memory_space<vmem>>, vector<1x16xf32>,
      %parallel_loop3A_169 = vector.shape_cast %parallel_loop3A_168 : vector<1x16xf32> to vector<16xf32>
      %parallel_loop3A_170 = arith.constant 8.000000e+00 : f32
      %parallel_loop3A_171 = vector.broadcast %parallel_loop3A_170 : f32 to vector<16xf32>
      %parallel_loop3A_172 = arith.mulf %parallel_loop3A_169, %parallel_loop3A_171 : vector<16xf32>
      %parallel_loop3A_173 = arith.index_cast %parallel_loop3A_153 : i32 to index
      %parallel_loop3A_174 = arith.constant 16 : index
      %parallel_loop3A_175 = tpu.vector_load %arg6[%parallel_loop3A_173, %parallel_loop3A_174] {strides = array<i32>} : memref<200x64xf32, #tpu.memory_space<vmem>>, vector<1x16xf32>,
      %parallel_loop3A_176 = vector.shape_cast %parallel_loop3A_175 : vector<1x16xf32> to vector<16xf32>
      %parallel_loop3A_177 = vector.shape_cast %parallel_loop3A_172 : vector<16xf32> to vector<1x16xf32>
      tpu.vector_store %arg6[%parallel_loop3A_173, %parallel_loop3A_174], %parallel_loop3A_177 {strides = array<i32>} : memref<200x64xf32, #tpu.memory_space<vmem>>, vector<1x16xf32>,
      %parallel_loop3A_178 = arith.index_cast %parallel_loop3A_153 : i32 to index
      %parallel_loop3A_179 = arith.constant 32 : index
      %parallel_loop3A_180 = tpu.vector_load %arg6[%parallel_loop3A_178, %parallel_loop3A_179] {strides = array<i32>} : memref<200x64xf32, #tpu.memory_space<vmem>>, vector<1x16xf32>,
      %parallel_loop3A_181 = vector.shape_cast %parallel_loop3A_180 : vector<1x16xf32> to vector<16xf32>
      %parallel_loop3A_182 = arith.constant 8.000000e+00 : f32
      %parallel_loop3A_183 = vector.broadcast %parallel_loop3A_182 : f32 to vector<16xf32>
      %parallel_loop3A_184 = arith.mulf %parallel_loop3A_181, %parallel_loop3A_183 : vector<16xf32>
      %parallel_loop3A_185 = arith.index_cast %parallel_loop3A_153 : i32 to index
      %parallel_loop3A_186 = arith.constant 32 : index
      %parallel_loop3A_187 = tpu.vector_load %arg6[%parallel_loop3A_185, %parallel_loop3A_186] {strides = array<i32>} : memref<200x64xf32, #tpu.memory_space<vmem>>, vector<1x16xf32>,
      %parallel_loop3A_188 = vector.shape_cast %parallel_loop3A_187 : vector<1x16xf32> to vector<16xf32>
      %parallel_loop3A_189 = vector.shape_cast %parallel_loop3A_184 : vector<16xf32> to vector<1x16xf32>
      tpu.vector_store %arg6[%parallel_loop3A_185, %parallel_loop3A_186], %parallel_loop3A_189 {strides = array<i32>} : memref<200x64xf32, #tpu.memory_space<vmem>>, vector<1x16xf32>,
      %parallel_loop3A_190 = arith.index_cast %parallel_loop3A_153 : i32 to index
      %parallel_loop3A_191 = arith.constant 48 : index
      %parallel_loop3A_192 = tpu.vector_load %arg6[%parallel_loop3A_190, %parallel_loop3A_191] {strides = array<i32>} : memref<200x64xf32, #tpu.memory_space<vmem>>, vector<1x16xf32>,
      %parallel_loop3A_193 = vector.shape_cast %parallel_loop3A_192 : vector<1x16xf32> to vector<16xf32>
      %parallel_loop3A_194 = arith.constant 8.000000e+00 : f32
      %parallel_loop3A_195 = vector.broadcast %parallel_loop3A_194 : f32 to vector<16xf32>
      %parallel_loop3A_196 = arith.mulf %parallel_loop3A_193, %parallel_loop3A_195 : vector<16xf32>
      %parallel_loop3A_197 = arith.index_cast %parallel_loop3A_153 : i32 to index
      %parallel_loop3A_198 = arith.constant 48 : index
      %parallel_loop3A_199 = tpu.vector_load %arg6[%parallel_loop3A_197, %parallel_loop3A_198] {strides = array<i32>} : memref<200x64xf32, #tpu.memory_space<vmem>>, vector<1x16xf32>,
      %parallel_loop3A_200 = vector.shape_cast %parallel_loop3A_199 : vector<1x16xf32> to vector<16xf32>
      %parallel_loop3A_201 = vector.shape_cast %parallel_loop3A_196 : vector<16xf32> to vector<1x16xf32>
      tpu.vector_store %arg6[%parallel_loop3A_197, %parallel_loop3A_198], %parallel_loop3A_201 {strides = array<i32>} : memref<200x64xf32, #tpu.memory_space<vmem>>, vector<1x16xf32>,
    } {sc.loop_unroll_factor = 8 : i64, sc.parallel_access}
    %add3A_24 = arith.constant 0 : i32
    %add3A_25 = arith.addi %mul3A_2, %add3A_24 : i32
    %dma_start3A_26 = arith.constant 0 : i32
    %dma_start3A_27 = arith.constant 0 : i32
    %dma_start3A_28 = tpu.memref_slice %arg4[%add3A_25, %dma_start3A_26, %dma_start3A_27] : memref<4096x200x64xf32, #tpu.memory_space<hbm>> -> memref<1x200x64xf32, #tpu.memory_space<hbm>>
    %dma_start3A_29 = tpu.memref_squeeze %dma_start3A_28 : memref<1x200x64xf32, #tpu.memory_space<hbm>> -> memref<200x64xf32, #tpu.memory_space<hbm>>
    %dma_start3A_30 = arith.constant 0 : i32
    %dma_start3A_31 = arith.constant 0 : i32
    %dma_start3A_32 = tpu.memref_slice %arg4[%add3A_25, %dma_start3A_30, %dma_start3A_31] : memref<4096x200x64xf32, #tpu.memory_space<hbm>> -> memref<1x200x64xf32, #tpu.memory_space<hbm>>
    %dma_start3A_33 = tpu.memref_squeeze %dma_start3A_32 : memref<1x200x64xf32, #tpu.memory_space<hbm>> -> memref<200x64xf32, #tpu.memory_space<hbm>>
    tpu.enqueue_dma source(%arg6 : memref<200x64xf32, #tpu.memory_space<vmem>>) target(%dma_start3A_33 : memref<200x64xf32, #tpu.memory_space<hbm>>) target_semaphore(%arg14 : memref<!tpu.dma_semaphore, #tpu.memory_space<semaphore_mem>>)
    %dma_start3A_34 = arith.constant 2 : i32
    %dma_start3A_35 = arith.constant 0 : i32
    %dma_start3A_36 = tpu.memref_slice %arg5[%dma_start3A_34, %dma_start3A_35] : memref<128x200xi32, #tpu.memory_space<vmem>> -> memref<1x200xi32, #tpu.memory_space<vmem>>
    %dma_start3A_37 = tpu.memref_squeeze %dma_start3A_36 : memref<1x200xi32, #tpu.memory_space<vmem>> -> memref<200xi32, #tpu.memory_space<vmem>>
    %dma_start3A_38 = arith.constant 0 : i32
    %dma_start3A_39 = arith.constant 0 : i32
    %dma_start3A_40 = tpu.memref_slice %arg3[%dma_start3A_38, %dma_start3A_39] : memref<1000000x64xf32, #tpu.memory_space<hbm>> -> memref<1000000x64xf32, #tpu.memory_space<hbm>>
    tpu.enqueue_indirect_dma source(%dma_start3A_40 : memref<1000000x64xf32, #tpu.memory_space<hbm>>) target(%arg8 : memref<200x64xf32, #tpu.memory_space<vmem>>) offsets(%dma_start3A_37 : memref<200xi32, #tpu.memory_space<vmem>>) semaphore(%arg12 : memref<!tpu.dma_semaphore, #tpu.memory_space<semaphore_mem>>)
    %dma_wait3A_41 = arith.constant 1 : i32
    %dma_wait3A_42 = arith.constant 0 : i32
    %dma_wait3A_43 = tpu.memref_slice %arg5[%dma_wait3A_41, %dma_wait3A_42] : memref<128x200xi32, #tpu.memory_space<vmem>> -> memref<1x200xi32, #tpu.memory_space<vmem>>
    %dma_wait3A_44 = tpu.memref_squeeze %dma_wait3A_43 : memref<1x200xi32, #tpu.memory_space<vmem>> -> memref<200xi32, #tpu.memory_space<vmem>>
    %dma_wait3A_45 = arith.constant 0 : i32
    %dma_wait3A_46 = arith.constant 0 : i32
    %dma_wait3A_47 = tpu.memref_slice %arg3[%dma_wait3A_45, %dma_wait3A_46] : memref<1000000x64xf32, #tpu.memory_space<hbm>> -> memref<1000000x64xf32, #tpu.memory_space<hbm>>
    tpu.wait_indirect_dma semaphore(%arg11 : memref<!tpu.dma_semaphore, #tpu.memory_space<semaphore_mem>>) src(%dma_wait3A_47 : memref<1000000x64xf32, #tpu.memory_space<hbm>>) dst(%arg7 : memref<200x64xf32, #tpu.memory_space<vmem>>)
    %parallel_loop3A_48 = arith.constant 0 : i32
    %parallel_loop3A_49 = arith.constant 200 : i32
    %parallel_loop3A_50 = arith.constant 1 : i32
    scf.for %parallel_loop3A_153 = %parallel_loop3A_48 to %parallel_loop3A_49 step %parallel_loop3A_50  : i32 {
      %parallel_loop3A_154 = arith.index_cast %parallel_loop3A_153 : i32 to index
      %parallel_loop3A_155 = arith.constant 0 : index
      %parallel_loop3A_156 = tpu.vector_load %arg7[%parallel_loop3A_154, %parallel_loop3A_155] {strides = array<i32>} : memref<200x64xf32, #tpu.memory_space<vmem>>, vector<1x16xf32>,
      %parallel_loop3A_157 = vector.shape_cast %parallel_loop3A_156 : vector<1x16xf32> to vector<16xf32>
      %parallel_loop3A_158 = arith.constant 8.000000e+00 : f32
      %parallel_loop3A_159 = vector.broadcast %parallel_loop3A_158 : f32 to vector<16xf32>
      %parallel_loop3A_160 = arith.mulf %parallel_loop3A_157, %parallel_loop3A_159 : vector<16xf32>
      %parallel_loop3A_161 = arith.index_cast %parallel_loop3A_153 : i32 to index
      %parallel_loop3A_162 = arith.constant 0 : index
      %parallel_loop3A_163 = tpu.vector_load %arg7[%parallel_loop3A_161, %parallel_loop3A_162] {strides = array<i32>} : memref<200x64xf32, #tpu.memory_space<vmem>>, vector<1x16xf32>,
      %parallel_loop3A_164 = vector.shape_cast %parallel_loop3A_163 : vector<1x16xf32> to vector<16xf32>
      %parallel_loop3A_165 = vector.shape_cast %parallel_loop3A_160 : vector<16xf32> to vector<1x16xf32>
      tpu.vector_store %arg7[%parallel_loop3A_161, %parallel_loop3A_162], %parallel_loop3A_165 {strides = array<i32>} : memref<200x64xf32, #tpu.memory_space<vmem>>, vector<1x16xf32>,
      %parallel_loop3A_166 = arith.index_cast %parallel_loop3A_153 : i32 to index
      %parallel_loop3A_167 = arith.constant 16 : index
      %parallel_loop3A_168 = tpu.vector_load %arg7[%parallel_loop3A_166, %parallel_loop3A_167] {strides = array<i32>} : memref<200x64xf32, #tpu.memory_space<vmem>>, vector<1x16xf32>,
      %parallel_loop3A_169 = vector.shape_cast %parallel_loop3A_168 : vector<1x16xf32> to vector<16xf32>
      %parallel_loop3A_170 = arith.constant 8.000000e+00 : f32
      %parallel_loop3A_171 = vector.broadcast %parallel_loop3A_170 : f32 to vector<16xf32>
      %parallel_loop3A_172 = arith.mulf %parallel_loop3A_169, %parallel_loop3A_171 : vector<16xf32>
      %parallel_loop3A_173 = arith.index_cast %parallel_loop3A_153 : i32 to index
      %parallel_loop3A_174 = arith.constant 16 : index
      %parallel_loop3A_175 = tpu.vector_load %arg7[%parallel_loop3A_173, %parallel_loop3A_174] {strides = array<i32>} : memref<200x64xf32, #tpu.memory_space<vmem>>, vector<1x16xf32>,
      %parallel_loop3A_176 = vector.shape_cast %parallel_loop3A_175 : vector<1x16xf32> to vector<16xf32>
      %parallel_loop3A_177 = vector.shape_cast %parallel_loop3A_172 : vector<16xf32> to vector<1x16xf32>
      tpu.vector_store %arg7[%parallel_loop3A_173, %parallel_loop3A_174], %parallel_loop3A_177 {strides = array<i32>} : memref<200x64xf32, #tpu.memory_space<vmem>>, vector<1x16xf32>,
      %parallel_loop3A_178 = arith.index_cast %parallel_loop3A_153 : i32 to index
      %parallel_loop3A_179 = arith.constant 32 : index
      %parallel_loop3A_180 = tpu.vector_load %arg7[%parallel_loop3A_178, %parallel_loop3A_179] {strides = array<i32>} : memref<200x64xf32, #tpu.memory_space<vmem>>, vector<1x16xf32>,
      %parallel_loop3A_181 = vector.shape_cast %parallel_loop3A_180 : vector<1x16xf32> to vector<16xf32>
      %parallel_loop3A_182 = arith.constant 8.000000e+00 : f32
      %parallel_loop3A_183 = vector.broadcast %parallel_loop3A_182 : f32 to vector<16xf32>
      %parallel_loop3A_184 = arith.mulf %parallel_loop3A_181, %parallel_loop3A_183 : vector<16xf32>
      %parallel_loop3A_185 = arith.index_cast %parallel_loop3A_153 : i32 to index
      %parallel_loop3A_186 = arith.constant 32 : index
      %parallel_loop3A_187 = tpu.vector_load %arg7[%parallel_loop3A_185, %parallel_loop3A_186] {strides = array<i32>} : memref<200x64xf32, #tpu.memory_space<vmem>>, vector<1x16xf32>,
      %parallel_loop3A_188 = vector.shape_cast %parallel_loop3A_187 : vector<1x16xf32> to vector<16xf32>
      %parallel_loop3A_189 = vector.shape_cast %parallel_loop3A_184 : vector<16xf32> to vector<1x16xf32>
      tpu.vector_store %arg7[%parallel_loop3A_185, %parallel_loop3A_186], %parallel_loop3A_189 {strides = array<i32>} : memref<200x64xf32, #tpu.memory_space<vmem>>, vector<1x16xf32>,
      %parallel_loop3A_190 = arith.index_cast %parallel_loop3A_153 : i32 to index
      %parallel_loop3A_191 = arith.constant 48 : index
      %parallel_loop3A_192 = tpu.vector_load %arg7[%parallel_loop3A_190, %parallel_loop3A_191] {strides = array<i32>} : memref<200x64xf32, #tpu.memory_space<vmem>>, vector<1x16xf32>,
      %parallel_loop3A_193 = vector.shape_cast %parallel_loop3A_192 : vector<1x16xf32> to vector<16xf32>
      %parallel_loop3A_194 = arith.constant 8.000000e+00 : f32
      %parallel_loop3A_195 = vector.broadcast %parallel_loop3A_194 : f32 to vector<16xf32>
      %parallel_loop3A_196 = arith.mulf %parallel_loop3A_193, %parallel_loop3A_195 : vector<16xf32>
      %parallel_loop3A_197 = arith.index_cast %parallel_loop3A_153 : i32 to index
      %parallel_loop3A_198 = arith.constant 48 : index
      %parallel_loop3A_199 = tpu.vector_load %arg7[%parallel_loop3A_197, %parallel_loop3A_198] {strides = array<i32>} : memref<200x64xf32, #tpu.memory_space<vmem>>, vector<1x16xf32>,
      %parallel_loop3A_200 = vector.shape_cast %parallel_loop3A_199 : vector<1x16xf32> to vector<16xf32>
      %parallel_loop3A_201 = vector.shape_cast %parallel_loop3A_196 : vector<16xf32> to vector<1x16xf32>
      tpu.vector_store %arg7[%parallel_loop3A_197, %parallel_loop3A_198], %parallel_loop3A_201 {strides = array<i32>} : memref<200x64xf32, #tpu.memory_space<vmem>>, vector<1x16xf32>,
    } {sc.loop_unroll_factor = 8 : i64, sc.parallel_access}
    %add3A_51 = arith.constant 1 : i32
    %add3A_52 = arith.addi %mul3A_2, %add3A_51 : i32
    %dma_start3A_53 = arith.constant 0 : i32
    %dma_start3A_54 = arith.constant 0 : i32
    %dma_start3A_55 = tpu.memref_slice %arg4[%add3A_52, %dma_start3A_53, %dma_start3A_54] : memref<4096x200x64xf32, #tpu.memory_space<hbm>> -> memref<1x200x64xf32, #tpu.memory_space<hbm>>
    %dma_start3A_56 = tpu.memref_squeeze %dma_start3A_55 : memref<1x200x64xf32, #tpu.memory_space<hbm>> -> memref<200x64xf32, #tpu.memory_space<hbm>>
    %dma_start3A_57 = arith.constant 0 : i32
    %dma_start3A_58 = arith.constant 0 : i32
    %dma_start3A_59 = tpu.memref_slice %arg4[%add3A_52, %dma_start3A_57, %dma_start3A_58] : memref<4096x200x64xf32, #tpu.memory_space<hbm>> -> memref<1x200x64xf32, #tpu.memory_space<hbm>>
    %dma_start3A_60 = tpu.memref_squeeze %dma_start3A_59 : memref<1x200x64xf32, #tpu.memory_space<hbm>> -> memref<200x64xf32, #tpu.memory_space<hbm>>
    tpu.enqueue_dma source(%arg7 : memref<200x64xf32, #tpu.memory_space<vmem>>) target(%dma_start3A_60 : memref<200x64xf32, #tpu.memory_space<hbm>>) target_semaphore(%arg15 : memref<!tpu.dma_semaphore, #tpu.memory_space<semaphore_mem>>)
    %dma_start3A_61 = arith.constant 3 : i32
    %dma_start3A_62 = arith.constant 0 : i32
    %dma_start3A_63 = tpu.memref_slice %arg5[%dma_start3A_61, %dma_start3A_62] : memref<128x200xi32, #tpu.memory_space<vmem>> -> memref<1x200xi32, #tpu.memory_space<vmem>>
    %dma_start3A_64 = tpu.memref_squeeze %dma_start3A_63 : memref<1x200xi32, #tpu.memory_space<vmem>> -> memref<200xi32, #tpu.memory_space<vmem>>
    %dma_start3A_65 = arith.constant 0 : i32
    %dma_start3A_66 = arith.constant 0 : i32
    %dma_start3A_67 = tpu.memref_slice %arg3[%dma_start3A_65, %dma_start3A_66] : memref<1000000x64xf32, #tpu.memory_space<hbm>> -> memref<1000000x64xf32, #tpu.memory_space<hbm>>
    tpu.enqueue_indirect_dma source(%dma_start3A_67 : memref<1000000x64xf32, #tpu.memory_space<hbm>>) target(%arg9 : memref<200x64xf32, #tpu.memory_space<vmem>>) offsets(%dma_start3A_64 : memref<200xi32, #tpu.memory_space<vmem>>) semaphore(%arg13 : memref<!tpu.dma_semaphore, #tpu.memory_space<semaphore_mem>>)
    %scan3A = arith.constant 0 : i32
    %scan3A_68 = arith.constant 0 : i32
    %scan3A_69 = arith.constant 31 : i32
    %scan3A_70 = arith.addi %scan3A_68, %scan3A_69 : i32
    %scan3A_71 = arith.constant 1 : i32
    scf.for %scan3A_153 = %scan3A_68 to %scan3A_70 step %scan3A_71  : i32 {
      %mul3A_154 = arith.constant 4 : i32
      %mul3A_155 = arith.muli %scan3A_153, %mul3A_154 : i32
      %add3A_156 = arith.constant 2 : i32
      %add3A_157 = arith.addi %add3A_156, %mul3A_155 : i32
      %add3A_158 = arith.constant 0 : i32
      %add3A_159 = arith.addi %add3A_157, %add3A_158 : i32
      %dma_wait3A_160 = arith.constant 0 : i32
      %dma_wait3A_161 = tpu.memref_slice %arg5[%add3A_159, %dma_wait3A_160] : memref<128x200xi32, #tpu.memory_space<vmem>> -> memref<1x200xi32, #tpu.memory_space<vmem>>
      %dma_wait3A_162 = tpu.memref_squeeze %dma_wait3A_161 : memref<1x200xi32, #tpu.memory_space<vmem>> -> memref<200xi32, #tpu.memory_space<vmem>>
      %dma_wait3A_163 = arith.constant 0 : i32
      %dma_wait3A_164 = arith.constant 0 : i32
      %dma_wait3A_165 = tpu.memref_slice %arg3[%dma_wait3A_163, %dma_wait3A_164] : memref<1000000x64xf32, #tpu.memory_space<hbm>> -> memref<1000000x64xf32, #tpu.memory_space<hbm>>
      tpu.wait_indirect_dma semaphore(%arg12 : memref<!tpu.dma_semaphore, #tpu.memory_space<semaphore_mem>>) src(%dma_wait3A_165 : memref<1000000x64xf32, #tpu.memory_space<hbm>>) dst(%arg8 : memref<200x64xf32, #tpu.memory_space<vmem>>)
      %parallel_loop3A_166 = arith.constant 0 : i32
      %parallel_loop3A_167 = arith.constant 200 : i32
      %parallel_loop3A_168 = arith.constant 1 : i32
      scf.for %parallel_loop3A_325 = %parallel_loop3A_166 to %parallel_loop3A_167 step %parallel_loop3A_168  : i32 {
        %parallel_loop3A_326 = arith.index_cast %parallel_loop3A_325 : i32 to index
        %parallel_loop3A_327 = arith.constant 0 : index
        %parallel_loop3A_328 = tpu.vector_load %arg8[%parallel_loop3A_326, %parallel_loop3A_327] {strides = array<i32>} : memref<200x64xf32, #tpu.memory_space<vmem>>, vector<1x16xf32>,
        %parallel_loop3A_329 = vector.shape_cast %parallel_loop3A_328 : vector<1x16xf32> to vector<16xf32>
        %parallel_loop3A_330 = arith.constant 8.000000e+00 : f32
        %parallel_loop3A_331 = vector.broadcast %parallel_loop3A_330 : f32 to vector<16xf32>
        %parallel_loop3A_332 = arith.mulf %parallel_loop3A_329, %parallel_loop3A_331 : vector<16xf32>
        %parallel_loop3A_333 = arith.index_cast %parallel_loop3A_325 : i32 to index
        %parallel_loop3A_334 = arith.constant 0 : index
        %parallel_loop3A_335 = tpu.vector_load %arg8[%parallel_loop3A_333, %parallel_loop3A_334] {strides = array<i32>} : memref<200x64xf32, #tpu.memory_space<vmem>>, vector<1x16xf32>,
        %parallel_loop3A_336 = vector.shape_cast %parallel_loop3A_335 : vector<1x16xf32> to vector<16xf32>
        %parallel_loop3A_337 = vector.shape_cast %parallel_loop3A_332 : vector<16xf32> to vector<1x16xf32>
        tpu.vector_store %arg8[%parallel_loop3A_333, %parallel_loop3A_334], %parallel_loop3A_337 {strides = array<i32>} : memref<200x64xf32, #tpu.memory_space<vmem>>, vector<1x16xf32>,
        %parallel_loop3A_338 = arith.index_cast %parallel_loop3A_325 : i32 to index
        %parallel_loop3A_339 = arith.constant 16 : index
        %parallel_loop3A_340 = tpu.vector_load %arg8[%parallel_loop3A_338, %parallel_loop3A_339] {strides = array<i32>} : memref<200x64xf32, #tpu.memory_space<vmem>>, vector<1x16xf32>,
        %parallel_loop3A_341 = vector.shape_cast %parallel_loop3A_340 : vector<1x16xf32> to vector<16xf32>
        %parallel_loop3A_342 = arith.constant 8.000000e+00 : f32
        %parallel_loop3A_343 = vector.broadcast %parallel_loop3A_342 : f32 to vector<16xf32>
        %parallel_loop3A_344 = arith.mulf %parallel_loop3A_341, %parallel_loop3A_343 : vector<16xf32>
        %parallel_loop3A_345 = arith.index_cast %parallel_loop3A_325 : i32 to index
        %parallel_loop3A_346 = arith.constant 16 : index
        %parallel_loop3A_347 = tpu.vector_load %arg8[%parallel_loop3A_345, %parallel_loop3A_346] {strides = array<i32>} : memref<200x64xf32, #tpu.memory_space<vmem>>, vector<1x16xf32>,
        %parallel_loop3A_348 = vector.shape_cast %parallel_loop3A_347 : vector<1x16xf32> to vector<16xf32>
        %parallel_loop3A_349 = vector.shape_cast %parallel_loop3A_344 : vector<16xf32> to vector<1x16xf32>
        tpu.vector_store %arg8[%parallel_loop3A_345, %parallel_loop3A_346], %parallel_loop3A_349 {strides = array<i32>} : memref<200x64xf32, #tpu.memory_space<vmem>>, vector<1x16xf32>,
        %parallel_loop3A_350 = arith.index_cast %parallel_loop3A_325 : i32 to index
        %parallel_loop3A_351 = arith.constant 32 : index
        %parallel_loop3A_352 = tpu.vector_load %arg8[%parallel_loop3A_350, %parallel_loop3A_351] {strides = array<i32>} : memref<200x64xf32, #tpu.memory_space<vmem>>, vector<1x16xf32>,
        %parallel_loop3A_353 = vector.shape_cast %parallel_loop3A_352 : vector<1x16xf32> to vector<16xf32>
        %parallel_loop3A_354 = arith.constant 8.000000e+00 : f32
        %parallel_loop3A_355 = vector.broadcast %parallel_loop3A_354 : f32 to vector<16xf32>
        %parallel_loop3A_356 = arith.mulf %parallel_loop3A_353, %parallel_loop3A_355 : vector<16xf32>
        %parallel_loop3A_357 = arith.index_cast %parallel_loop3A_325 : i32 to index
        %parallel_loop3A_358 = arith.constant 32 : index
        %parallel_loop3A_359 = tpu.vector_load %arg8[%parallel_loop3A_357, %parallel_loop3A_358] {strides = array<i32>} : memref<200x64xf32, #tpu.memory_space<vmem>>, vector<1x16xf32>,
        %parallel_loop3A_360 = vector.shape_cast %parallel_loop3A_359 : vector<1x16xf32> to vector<16xf32>
        %parallel_loop3A_361 = vector.shape_cast %parallel_loop3A_356 : vector<16xf32> to vector<1x16xf32>
        tpu.vector_store %arg8[%parallel_loop3A_357, %parallel_loop3A_358], %parallel_loop3A_361 {strides = array<i32>} : memref<200x64xf32, #tpu.memory_space<vmem>>, vector<1x16xf32>,
        %parallel_loop3A_362 = arith.index_cast %parallel_loop3A_325 : i32 to index
        %parallel_loop3A_363 = arith.constant 48 : index
        %parallel_loop3A_364 = tpu.vector_load %arg8[%parallel_loop3A_362, %parallel_loop3A_363] {strides = array<i32>} : memref<200x64xf32, #tpu.memory_space<vmem>>, vector<1x16xf32>,
        %parallel_loop3A_365 = vector.shape_cast %parallel_loop3A_364 : vector<1x16xf32> to vector<16xf32>
        %parallel_loop3A_366 = arith.constant 8.000000e+00 : f32
        %parallel_loop3A_367 = vector.broadcast %parallel_loop3A_366 : f32 to vector<16xf32>
        %parallel_loop3A_368 = arith.mulf %parallel_loop3A_365, %parallel_loop3A_367 : vector<16xf32>
        %parallel_loop3A_369 = arith.index_cast %parallel_loop3A_325 : i32 to index
        %parallel_loop3A_370 = arith.constant 48 : index
        %parallel_loop3A_371 = tpu.vector_load %arg8[%parallel_loop3A_369, %parallel_loop3A_370] {strides = array<i32>} : memref<200x64xf32, #tpu.memory_space<vmem>>, vector<1x16xf32>,
        %parallel_loop3A_372 = vector.shape_cast %parallel_loop3A_371 : vector<1x16xf32> to vector<16xf32>
        %parallel_loop3A_373 = vector.shape_cast %parallel_loop3A_368 : vector<16xf32> to vector<1x16xf32>
        tpu.vector_store %arg8[%parallel_loop3A_369, %parallel_loop3A_370], %parallel_loop3A_373 {strides = array<i32>} : memref<200x64xf32, #tpu.memory_space<vmem>>, vector<1x16xf32>,
      } {sc.loop_unroll_factor = 8 : i64, sc.parallel_access}
      %add3A_169 = arith.addi %mul3A_2, %add3A_159 : i32
      %dma_start3A_170 = arith.constant 0 : i32
      %dma_start3A_171 = arith.constant 0 : i32
      %dma_start3A_172 = tpu.memref_slice %arg4[%add3A_169, %dma_start3A_170, %dma_start3A_171] : memref<4096x200x64xf32, #tpu.memory_space<hbm>> -> memref<1x200x64xf32, #tpu.memory_space<hbm>>
      %dma_start3A_173 = tpu.memref_squeeze %dma_start3A_172 : memref<1x200x64xf32, #tpu.memory_space<hbm>> -> memref<200x64xf32, #tpu.memory_space<hbm>>
      %dma_start3A_174 = arith.constant 0 : i32
      %dma_start3A_175 = arith.constant 0 : i32
      %dma_start3A_176 = tpu.memref_slice %arg4[%add3A_169, %dma_start3A_174, %dma_start3A_175] : memref<4096x200x64xf32, #tpu.memory_space<hbm>> -> memref<1x200x64xf32, #tpu.memory_space<hbm>>
      %dma_start3A_177 = tpu.memref_squeeze %dma_start3A_176 : memref<1x200x64xf32, #tpu.memory_space<hbm>> -> memref<200x64xf32, #tpu.memory_space<hbm>>
      tpu.enqueue_dma source(%arg8 : memref<200x64xf32, #tpu.memory_space<vmem>>) target(%dma_start3A_177 : memref<200x64xf32, #tpu.memory_space<hbm>>) target_semaphore(%arg16 : memref<!tpu.dma_semaphore, #tpu.memory_space<semaphore_mem>>)
      %add3A_178 = arith.constant 2 : i32
      %add3A_179 = arith.addi %add3A_159, %add3A_178 : i32
      %sub3A = arith.constant 4 : i32
      %sub3A_180 = arith.subi %add3A_179, %sub3A : i32
      %add3A_181 = arith.addi %mul3A_2, %sub3A_180 : i32
      %dma_wait3A_182 = arith.constant 0 : i32
      %dma_wait3A_183 = arith.constant 0 : i32
      %dma_wait3A_184 = tpu.memref_slice %arg4[%add3A_181, %dma_wait3A_182, %dma_wait3A_183] : memref<4096x200x64xf32, #tpu.memory_space<hbm>> -> memref<1x200x64xf32, #tpu.memory_space<hbm>>
      %dma_wait3A_185 = tpu.memref_squeeze %dma_wait3A_184 : memref<1x200x64xf32, #tpu.memory_space<hbm>> -> memref<200x64xf32, #tpu.memory_space<hbm>>
      %dma_wait3A_186 = arith.constant 0 : i32
      %dma_wait3A_187 = arith.constant 0 : i32
      %dma_wait3A_188 = tpu.memref_slice %arg4[%add3A_181, %dma_wait3A_186, %dma_wait3A_187] : memref<4096x200x64xf32, #tpu.memory_space<hbm>> -> memref<1x200x64xf32, #tpu.memory_space<hbm>>
      %dma_wait3A_189 = tpu.memref_squeeze %dma_wait3A_188 : memref<1x200x64xf32, #tpu.memory_space<hbm>> -> memref<200x64xf32, #tpu.memory_space<hbm>>
      tpu.wait_dma2 semaphore(%arg14 : memref<!tpu.dma_semaphore, #tpu.memory_space<semaphore_mem>>) src(%arg6 : memref<200x64xf32, #tpu.memory_space<vmem>>) dst(%dma_wait3A_189 : memref<200x64xf32, #tpu.memory_space<hbm>>)
      %dma_start3A_190 = arith.constant 0 : i32
      %dma_start3A_191 = tpu.memref_slice %arg5[%add3A_179, %dma_start3A_190] : memref<128x200xi32, #tpu.memory_space<vmem>> -> memref<1x200xi32, #tpu.memory_space<vmem>>
      %dma_start3A_192 = tpu.memref_squeeze %dma_start3A_191 : memref<1x200xi32, #tpu.memory_space<vmem>> -> memref<200xi32, #tpu.memory_space<vmem>>
      %dma_start3A_193 = arith.constant 0 : i32
      %dma_start3A_194 = arith.constant 0 : i32
      %dma_start3A_195 = tpu.memref_slice %arg3[%dma_start3A_193, %dma_start3A_194] : memref<1000000x64xf32, #tpu.memory_space<hbm>> -> memref<1000000x64xf32, #tpu.memory_space<hbm>>
      tpu.enqueue_indirect_dma source(%dma_start3A_195 : memref<1000000x64xf32, #tpu.memory_space<hbm>>) target(%arg6 : memref<200x64xf32, #tpu.memory_space<vmem>>) offsets(%dma_start3A_192 : memref<200xi32, #tpu.memory_space<vmem>>) semaphore(%arg10 : memref<!tpu.dma_semaphore, #tpu.memory_space<semaphore_mem>>)
      %mul3A_196 = arith.constant 4 : i32
      %mul3A_197 = arith.muli %scan3A_153, %mul3A_196 : i32
      %add3A_198 = arith.constant 2 : i32
      %add3A_199 = arith.addi %add3A_198, %mul3A_197 : i32
      %add3A_200 = arith.constant 1 : i32
      %add3A_201 = arith.addi %add3A_199, %add3A_200 : i32
      %dma_wait3A_202 = arith.constant 0 : i32
      %dma_wait3A_203 = tpu.memref_slice %arg5[%add3A_201, %dma_wait3A_202] : memref<128x200xi32, #tpu.memory_space<vmem>> -> memref<1x200xi32, #tpu.memory_space<vmem>>
      %dma_wait3A_204 = tpu.memref_squeeze %dma_wait3A_203 : memref<1x200xi32, #tpu.memory_space<vmem>> -> memref<200xi32, #tpu.memory_space<vmem>>
      %dma_wait3A_205 = arith.constant 0 : i32
      %dma_wait3A_206 = arith.constant 0 : i32
      %dma_wait3A_207 = tpu.memref_slice %arg3[%dma_wait3A_205, %dma_wait3A_206] : memref<1000000x64xf32, #tpu.memory_space<hbm>> -> memref<1000000x64xf32, #tpu.memory_space<hbm>>
      tpu.wait_indirect_dma semaphore(%arg13 : memref<!tpu.dma_semaphore, #tpu.memory_space<semaphore_mem>>) src(%dma_wait3A_207 : memref<1000000x64xf32, #tpu.memory_space<hbm>>) dst(%arg9 : memref<200x64xf32, #tpu.memory_space<vmem>>)
      %parallel_loop3A_208 = arith.constant 0 : i32
      %parallel_loop3A_209 = arith.constant 200 : i32
      %parallel_loop3A_210 = arith.constant 1 : i32
      scf.for %parallel_loop3A_325 = %parallel_loop3A_208 to %parallel_loop3A_209 step %parallel_loop3A_210  : i32 {
        %parallel_loop3A_326 = arith.index_cast %parallel_loop3A_325 : i32 to index
        %parallel_loop3A_327 = arith.constant 0 : index
        %parallel_loop3A_328 = tpu.vector_load %arg9[%parallel_loop3A_326, %parallel_loop3A_327] {strides = array<i32>} : memref<200x64xf32, #tpu.memory_space<vmem>>, vector<1x16xf32>,
        %parallel_loop3A_329 = vector.shape_cast %parallel_loop3A_328 : vector<1x16xf32> to vector<16xf32>
        %parallel_loop3A_330 = arith.constant 8.000000e+00 : f32
        %parallel_loop3A_331 = vector.broadcast %parallel_loop3A_330 : f32 to vector<16xf32>
        %parallel_loop3A_332 = arith.mulf %parallel_loop3A_329, %parallel_loop3A_331 : vector<16xf32>
        %parallel_loop3A_333 = arith.index_cast %parallel_loop3A_325 : i32 to index
        %parallel_loop3A_334 = arith.constant 0 : index
        %parallel_loop3A_335 = tpu.vector_load %arg9[%parallel_loop3A_333, %parallel_loop3A_334] {strides = array<i32>} : memref<200x64xf32, #tpu.memory_space<vmem>>, vector<1x16xf32>,
        %parallel_loop3A_336 = vector.shape_cast %parallel_loop3A_335 : vector<1x16xf32> to vector<16xf32>
        %parallel_loop3A_337 = vector.shape_cast %parallel_loop3A_332 : vector<16xf32> to vector<1x16xf32>
        tpu.vector_store %arg9[%parallel_loop3A_333, %parallel_loop3A_334], %parallel_loop3A_337 {strides = array<i32>} : memref<200x64xf32, #tpu.memory_space<vmem>>, vector<1x16xf32>,
        %parallel_loop3A_338 = arith.index_cast %parallel_loop3A_325 : i32 to index
        %parallel_loop3A_339 = arith.constant 16 : index
        %parallel_loop3A_340 = tpu.vector_load %arg9[%parallel_loop3A_338, %parallel_loop3A_339] {strides = array<i32>} : memref<200x64xf32, #tpu.memory_space<vmem>>, vector<1x16xf32>,
        %parallel_loop3A_341 = vector.shape_cast %parallel_loop3A_340 : vector<1x16xf32> to vector<16xf32>
        %parallel_loop3A_342 = arith.constant 8.000000e+00 : f32
        %parallel_loop3A_343 = vector.broadcast %parallel_loop3A_342 : f32 to vector<16xf32>
        %parallel_loop3A_344 = arith.mulf %parallel_loop3A_341, %parallel_loop3A_343 : vector<16xf32>
        %parallel_loop3A_345 = arith.index_cast %parallel_loop3A_325 : i32 to index
        %parallel_loop3A_346 = arith.constant 16 : index
        %parallel_loop3A_347 = tpu.vector_load %arg9[%parallel_loop3A_345, %parallel_loop3A_346] {strides = array<i32>} : memref<200x64xf32, #tpu.memory_space<vmem>>, vector<1x16xf32>,
        %parallel_loop3A_348 = vector.shape_cast %parallel_loop3A_347 : vector<1x16xf32> to vector<16xf32>
        %parallel_loop3A_349 = vector.shape_cast %parallel_loop3A_344 : vector<16xf32> to vector<1x16xf32>
        tpu.vector_store %arg9[%parallel_loop3A_345, %parallel_loop3A_346], %parallel_loop3A_349 {strides = array<i32>} : memref<200x64xf32, #tpu.memory_space<vmem>>, vector<1x16xf32>,
        %parallel_loop3A_350 = arith.index_cast %parallel_loop3A_325 : i32 to index
        %parallel_loop3A_351 = arith.constant 32 : index
        %parallel_loop3A_352 = tpu.vector_load %arg9[%parallel_loop3A_350, %parallel_loop3A_351] {strides = array<i32>} : memref<200x64xf32, #tpu.memory_space<vmem>>, vector<1x16xf32>,
        %parallel_loop3A_353 = vector.shape_cast %parallel_loop3A_352 : vector<1x16xf32> to vector<16xf32>
        %parallel_loop3A_354 = arith.constant 8.000000e+00 : f32
        %parallel_loop3A_355 = vector.broadcast %parallel_loop3A_354 : f32 to vector<16xf32>
        %parallel_loop3A_356 = arith.mulf %parallel_loop3A_353, %parallel_loop3A_355 : vector<16xf32>
        %parallel_loop3A_357 = arith.index_cast %parallel_loop3A_325 : i32 to index
        %parallel_loop3A_358 = arith.constant 32 : index
        %parallel_loop3A_359 = tpu.vector_load %arg9[%parallel_loop3A_357, %parallel_loop3A_358] {strides = array<i32>} : memref<200x64xf32, #tpu.memory_space<vmem>>, vector<1x16xf32>,
        %parallel_loop3A_360 = vector.shape_cast %parallel_loop3A_359 : vector<1x16xf32> to vector<16xf32>
        %parallel_loop3A_361 = vector.shape_cast %parallel_loop3A_356 : vector<16xf32> to vector<1x16xf32>
        tpu.vector_store %arg9[%parallel_loop3A_357, %parallel_loop3A_358], %parallel_loop3A_361 {strides = array<i32>} : memref<200x64xf32, #tpu.memory_space<vmem>>, vector<1x16xf32>,
        %parallel_loop3A_362 = arith.index_cast %parallel_loop3A_325 : i32 to index
        %parallel_loop3A_363 = arith.constant 48 : index
        %parallel_loop3A_364 = tpu.vector_load %arg9[%parallel_loop3A_362, %parallel_loop3A_363] {strides = array<i32>} : memref<200x64xf32, #tpu.memory_space<vmem>>, vector<1x16xf32>,
        %parallel_loop3A_365 = vector.shape_cast %parallel_loop3A_364 : vector<1x16xf32> to vector<16xf32>
        %parallel_loop3A_366 = arith.constant 8.000000e+00 : f32
        %parallel_loop3A_367 = vector.broadcast %parallel_loop3A_366 : f32 to vector<16xf32>
        %parallel_loop3A_368 = arith.mulf %parallel_loop3A_365, %parallel_loop3A_367 : vector<16xf32>
        %parallel_loop3A_369 = arith.index_cast %parallel_loop3A_325 : i32 to index
        %parallel_loop3A_370 = arith.constant 48 : index
        %parallel_loop3A_371 = tpu.vector_load %arg9[%parallel_loop3A_369, %parallel_loop3A_370] {strides = array<i32>} : memref<200x64xf32, #tpu.memory_space<vmem>>, vector<1x16xf32>,
        %parallel_loop3A_372 = vector.shape_cast %parallel_loop3A_371 : vector<1x16xf32> to vector<16xf32>
        %parallel_loop3A_373 = vector.shape_cast %parallel_loop3A_368 : vector<16xf32> to vector<1x16xf32>
        tpu.vector_store %arg9[%parallel_loop3A_369, %parallel_loop3A_370], %parallel_loop3A_373 {strides = array<i32>} : memref<200x64xf32, #tpu.memory_space<vmem>>, vector<1x16xf32>,
      } {sc.loop_unroll_factor = 8 : i64, sc.parallel_access}
      %add3A_211 = arith.addi %mul3A_2, %add3A_201 : i32
      %dma_start3A_212 = arith.constant 0 : i32
      %dma_start3A_213 = arith.constant 0 : i32
      %dma_start3A_214 = tpu.memref_slice %arg4[%add3A_211, %dma_start3A_212, %dma_start3A_213] : memref<4096x200x64xf32, #tpu.memory_space<hbm>> -> memref<1x200x64xf32, #tpu.memory_space<hbm>>
      %dma_start3A_215 = tpu.memref_squeeze %dma_start3A_214 : memref<1x200x64xf32, #tpu.memory_space<hbm>> -> memref<200x64xf32, #tpu.memory_space<hbm>>
      %dma_start3A_216 = arith.constant 0 : i32
      %dma_start3A_217 = arith.constant 0 : i32
      %dma_start3A_218 = tpu.memref_slice %arg4[%add3A_211, %dma_start3A_216, %dma_start3A_217] : memref<4096x200x64xf32, #tpu.memory_space<hbm>> -> memref<1x200x64xf32, #tpu.memory_space<hbm>>
      %dma_start3A_219 = tpu.memref_squeeze %dma_start3A_218 : memref<1x200x64xf32, #tpu.memory_space<hbm>> -> memref<200x64xf32, #tpu.memory_space<hbm>>
      tpu.enqueue_dma source(%arg9 : memref<200x64xf32, #tpu.memory_space<vmem>>) target(%dma_start3A_219 : memref<200x64xf32, #tpu.memory_space<hbm>>) target_semaphore(%arg17 : memref<!tpu.dma_semaphore, #tpu.memory_space<semaphore_mem>>)
      %add3A_220 = arith.constant 2 : i32
      %add3A_221 = arith.addi %add3A_201, %add3A_220 : i32
      %sub3A_222 = arith.constant 4 : i32
      %sub3A_223 = arith.subi %add3A_221, %sub3A_222 : i32
      %add3A_224 = arith.addi %mul3A_2, %sub3A_223 : i32
      %dma_wait3A_225 = arith.constant 0 : i32
      %dma_wait3A_226 = arith.constant 0 : i32
      %dma_wait3A_227 = tpu.memref_slice %arg4[%add3A_224, %dma_wait3A_225, %dma_wait3A_226] : memref<4096x200x64xf32, #tpu.memory_space<hbm>> -> memref<1x200x64xf32, #tpu.memory_space<hbm>>
      %dma_wait3A_228 = tpu.memref_squeeze %dma_wait3A_227 : memref<1x200x64xf32, #tpu.memory_space<hbm>> -> memref<200x64xf32, #tpu.memory_space<hbm>>
      %dma_wait3A_229 = arith.constant 0 : i32
      %dma_wait3A_230 = arith.constant 0 : i32
      %dma_wait3A_231 = tpu.memref_slice %arg4[%add3A_224, %dma_wait3A_229, %dma_wait3A_230] : memref<4096x200x64xf32, #tpu.memory_space<hbm>> -> memref<1x200x64xf32, #tpu.memory_space<hbm>>
      %dma_wait3A_232 = tpu.memref_squeeze %dma_wait3A_231 : memref<1x200x64xf32, #tpu.memory_space<hbm>> -> memref<200x64xf32, #tpu.memory_space<hbm>>
      tpu.wait_dma2 semaphore(%arg15 : memref<!tpu.dma_semaphore, #tpu.memory_space<semaphore_mem>>) src(%arg7 : memref<200x64xf32, #tpu.memory_space<vmem>>) dst(%dma_wait3A_232 : memref<200x64xf32, #tpu.memory_space<hbm>>)
      %dma_start3A_233 = arith.constant 0 : i32
      %dma_start3A_234 = tpu.memref_slice %arg5[%add3A_221, %dma_start3A_233] : memref<128x200xi32, #tpu.memory_space<vmem>> -> memref<1x200xi32, #tpu.memory_space<vmem>>
      %dma_start3A_235 = tpu.memref_squeeze %dma_start3A_234 : memref<1x200xi32, #tpu.memory_space<vmem>> -> memref<200xi32, #tpu.memory_space<vmem>>
      %dma_start3A_236 = arith.constant 0 : i32
      %dma_start3A_237 = arith.constant 0 : i32
      %dma_start3A_238 = tpu.memref_slice %arg3[%dma_start3A_236, %dma_start3A_237] : memref<1000000x64xf32, #tpu.memory_space<hbm>> -> memref<1000000x64xf32, #tpu.memory_space<hbm>>
      tpu.enqueue_indirect_dma source(%dma_start3A_238 : memref<1000000x64xf32, #tpu.memory_space<hbm>>) target(%arg7 : memref<200x64xf32, #tpu.memory_space<vmem>>) offsets(%dma_start3A_235 : memref<200xi32, #tpu.memory_space<vmem>>) semaphore(%arg11 : memref<!tpu.dma_semaphore, #tpu.memory_space<semaphore_mem>>)
      %mul3A_239 = arith.constant 4 : i32
      %mul3A_240 = arith.muli %scan3A_153, %mul3A_239 : i32
      %add3A_241 = arith.constant 2 : i32
      %add3A_242 = arith.addi %add3A_241, %mul3A_240 : i32
      %add3A_243 = arith.constant 2 : i32
      %add3A_244 = arith.addi %add3A_242, %add3A_243 : i32
      %dma_wait3A_245 = arith.constant 0 : i32
      %dma_wait3A_246 = tpu.memref_slice %arg5[%add3A_244, %dma_wait3A_245] : memref<128x200xi32, #tpu.memory_space<vmem>> -> memref<1x200xi32, #tpu.memory_space<vmem>>
      %dma_wait3A_247 = tpu.memref_squeeze %dma_wait3A_246 : memref<1x200xi32, #tpu.memory_space<vmem>> -> memref<200xi32, #tpu.memory_space<vmem>>
      %dma_wait3A_248 = arith.constant 0 : i32
      %dma_wait3A_249 = arith.constant 0 : i32
      %dma_wait3A_250 = tpu.memref_slice %arg3[%dma_wait3A_248, %dma_wait3A_249] : memref<1000000x64xf32, #tpu.memory_space<hbm>> -> memref<1000000x64xf32, #tpu.memory_space<hbm>>
      tpu.wait_indirect_dma semaphore(%arg10 : memref<!tpu.dma_semaphore, #tpu.memory_space<semaphore_mem>>) src(%dma_wait3A_250 : memref<1000000x64xf32, #tpu.memory_space<hbm>>) dst(%arg6 : memref<200x64xf32, #tpu.memory_space<vmem>>)
      %parallel_loop3A_251 = arith.constant 0 : i32
      %parallel_loop3A_252 = arith.constant 200 : i32
      %parallel_loop3A_253 = arith.constant 1 : i32
      scf.for %parallel_loop3A_325 = %parallel_loop3A_251 to %parallel_loop3A_252 step %parallel_loop3A_253  : i32 {
        %parallel_loop3A_326 = arith.index_cast %parallel_loop3A_325 : i32 to index
        %parallel_loop3A_327 = arith.constant 0 : index
        %parallel_loop3A_328 = tpu.vector_load %arg6[%parallel_loop3A_326, %parallel_loop3A_327] {strides = array<i32>} : memref<200x64xf32, #tpu.memory_space<vmem>>, vector<1x16xf32>,
        %parallel_loop3A_329 = vector.shape_cast %parallel_loop3A_328 : vector<1x16xf32> to vector<16xf32>
        %parallel_loop3A_330 = arith.constant 8.000000e+00 : f32
        %parallel_loop3A_331 = vector.broadcast %parallel_loop3A_330 : f32 to vector<16xf32>
        %parallel_loop3A_332 = arith.mulf %parallel_loop3A_329, %parallel_loop3A_331 : vector<16xf32>
        %parallel_loop3A_333 = arith.index_cast %parallel_loop3A_325 : i32 to index
        %parallel_loop3A_334 = arith.constant 0 : index
        %parallel_loop3A_335 = tpu.vector_load %arg6[%parallel_loop3A_333, %parallel_loop3A_334] {strides = array<i32>} : memref<200x64xf32, #tpu.memory_space<vmem>>, vector<1x16xf32>,
        %parallel_loop3A_336 = vector.shape_cast %parallel_loop3A_335 : vector<1x16xf32> to vector<16xf32>
        %parallel_loop3A_337 = vector.shape_cast %parallel_loop3A_332 : vector<16xf32> to vector<1x16xf32>
        tpu.vector_store %arg6[%parallel_loop3A_333, %parallel_loop3A_334], %parallel_loop3A_337 {strides = array<i32>} : memref<200x64xf32, #tpu.memory_space<vmem>>, vector<1x16xf32>,
        %parallel_loop3A_338 = arith.index_cast %parallel_loop3A_325 : i32 to index
        %parallel_loop3A_339 = arith.constant 16 : index
        %parallel_loop3A_340 = tpu.vector_load %arg6[%parallel_loop3A_338, %parallel_loop3A_339] {strides = array<i32>} : memref<200x64xf32, #tpu.memory_space<vmem>>, vector<1x16xf32>,
        %parallel_loop3A_341 = vector.shape_cast %parallel_loop3A_340 : vector<1x16xf32> to vector<16xf32>
        %parallel_loop3A_342 = arith.constant 8.000000e+00 : f32
        %parallel_loop3A_343 = vector.broadcast %parallel_loop3A_342 : f32 to vector<16xf32>
        %parallel_loop3A_344 = arith.mulf %parallel_loop3A_341, %parallel_loop3A_343 : vector<16xf32>
        %parallel_loop3A_345 = arith.index_cast %parallel_loop3A_325 : i32 to index
        %parallel_loop3A_346 = arith.constant 16 : index
        %parallel_loop3A_347 = tpu.vector_load %arg6[%parallel_loop3A_345, %parallel_loop3A_346] {strides = array<i32>} : memref<200x64xf32, #tpu.memory_space<vmem>>, vector<1x16xf32>,
        %parallel_loop3A_348 = vector.shape_cast %parallel_loop3A_347 : vector<1x16xf32> to vector<16xf32>
        %parallel_loop3A_349 = vector.shape_cast %parallel_loop3A_344 : vector<16xf32> to vector<1x16xf32>
        tpu.vector_store %arg6[%parallel_loop3A_345, %parallel_loop3A_346], %parallel_loop3A_349 {strides = array<i32>} : memref<200x64xf32, #tpu.memory_space<vmem>>, vector<1x16xf32>,
        %parallel_loop3A_350 = arith.index_cast %parallel_loop3A_325 : i32 to index
        %parallel_loop3A_351 = arith.constant 32 : index
        %parallel_loop3A_352 = tpu.vector_load %arg6[%parallel_loop3A_350, %parallel_loop3A_351] {strides = array<i32>} : memref<200x64xf32, #tpu.memory_space<vmem>>, vector<1x16xf32>,
        %parallel_loop3A_353 = vector.shape_cast %parallel_loop3A_352 : vector<1x16xf32> to vector<16xf32>
        %parallel_loop3A_354 = arith.constant 8.000000e+00 : f32
        %parallel_loop3A_355 = vector.broadcast %parallel_loop3A_354 : f32 to vector<16xf32>
        %parallel_loop3A_356 = arith.mulf %parallel_loop3A_353, %parallel_loop3A_355 : vector<16xf32>
        %parallel_loop3A_357 = arith.index_cast %parallel_loop3A_325 : i32 to index
        %parallel_loop3A_358 = arith.constant 32 : index
        %parallel_loop3A_359 = tpu.vector_load %arg6[%parallel_loop3A_357, %parallel_loop3A_358] {strides = array<i32>} : memref<200x64xf32, #tpu.memory_space<vmem>>, vector<1x16xf32>,
        %parallel_loop3A_360 = vector.shape_cast %parallel_loop3A_359 : vector<1x16xf32> to vector<16xf32>
        %parallel_loop3A_361 = vector.shape_cast %parallel_loop3A_356 : vector<16xf32> to vector<1x16xf32>
        tpu.vector_store %arg6[%parallel_loop3A_357, %parallel_loop3A_358], %parallel_loop3A_361 {strides = array<i32>} : memref<200x64xf32, #tpu.memory_space<vmem>>, vector<1x16xf32>,
        %parallel_loop3A_362 = arith.index_cast %parallel_loop3A_325 : i32 to index
        %parallel_loop3A_363 = arith.constant 48 : index
        %parallel_loop3A_364 = tpu.vector_load %arg6[%parallel_loop3A_362, %parallel_loop3A_363] {strides = array<i32>} : memref<200x64xf32, #tpu.memory_space<vmem>>, vector<1x16xf32>,
        %parallel_loop3A_365 = vector.shape_cast %parallel_loop3A_364 : vector<1x16xf32> to vector<16xf32>
        %parallel_loop3A_366 = arith.constant 8.000000e+00 : f32
        %parallel_loop3A_367 = vector.broadcast %parallel_loop3A_366 : f32 to vector<16xf32>
        %parallel_loop3A_368 = arith.mulf %parallel_loop3A_365, %parallel_loop3A_367 : vector<16xf32>
        %parallel_loop3A_369 = arith.index_cast %parallel_loop3A_325 : i32 to index
        %parallel_loop3A_370 = arith.constant 48 : index
        %parallel_loop3A_371 = tpu.vector_load %arg6[%parallel_loop3A_369, %parallel_loop3A_370] {strides = array<i32>} : memref<200x64xf32, #tpu.memory_space<vmem>>, vector<1x16xf32>,
        %parallel_loop3A_372 = vector.shape_cast %parallel_loop3A_371 : vector<1x16xf32> to vector<16xf32>
        %parallel_loop3A_373 = vector.shape_cast %parallel_loop3A_368 : vector<16xf32> to vector<1x16xf32>
        tpu.vector_store %arg6[%parallel_loop3A_369, %parallel_loop3A_370], %parallel_loop3A_373 {strides = array<i32>} : memref<200x64xf32, #tpu.memory_space<vmem>>, vector<1x16xf32>,
      } {sc.loop_unroll_factor = 8 : i64, sc.parallel_access}
      %add3A_254 = arith.addi %mul3A_2, %add3A_244 : i32
      %dma_start3A_255 = arith.constant 0 : i32
      %dma_start3A_256 = arith.constant 0 : i32
      %dma_start3A_257 = tpu.memref_slice %arg4[%add3A_254, %dma_start3A_255, %dma_start3A_256] : memref<4096x200x64xf32, #tpu.memory_space<hbm>> -> memref<1x200x64xf32, #tpu.memory_space<hbm>>
      %dma_start3A_258 = tpu.memref_squeeze %dma_start3A_257 : memref<1x200x64xf32, #tpu.memory_space<hbm>> -> memref<200x64xf32, #tpu.memory_space<hbm>>
      %dma_start3A_259 = arith.constant 0 : i32
      %dma_start3A_260 = arith.constant 0 : i32
      %dma_start3A_261 = tpu.memref_slice %arg4[%add3A_254, %dma_start3A_259, %dma_start3A_260] : memref<4096x200x64xf32, #tpu.memory_space<hbm>> -> memref<1x200x64xf32, #tpu.memory_space<hbm>>
      %dma_start3A_262 = tpu.memref_squeeze %dma_start3A_261 : memref<1x200x64xf32, #tpu.memory_space<hbm>> -> memref<200x64xf32, #tpu.memory_space<hbm>>
      tpu.enqueue_dma source(%arg6 : memref<200x64xf32, #tpu.memory_space<vmem>>) target(%dma_start3A_262 : memref<200x64xf32, #tpu.memory_space<hbm>>) target_semaphore(%arg14 : memref<!tpu.dma_semaphore, #tpu.memory_space<semaphore_mem>>)
      %add3A_263 = arith.constant 2 : i32
      %add3A_264 = arith.addi %add3A_244, %add3A_263 : i32
      %sub3A_265 = arith.constant 4 : i32
      %sub3A_266 = arith.subi %add3A_264, %sub3A_265 : i32
      %add3A_267 = arith.addi %mul3A_2, %sub3A_266 : i32
      %dma_wait3A_268 = arith.constant 0 : i32
      %dma_wait3A_269 = arith.constant 0 : i32
      %dma_wait3A_270 = tpu.memref_slice %arg4[%add3A_267, %dma_wait3A_268, %dma_wait3A_269] : memref<4096x200x64xf32, #tpu.memory_space<hbm>> -> memref<1x200x64xf32, #tpu.memory_space<hbm>>
      %dma_wait3A_271 = tpu.memref_squeeze %dma_wait3A_270 : memref<1x200x64xf32, #tpu.memory_space<hbm>> -> memref<200x64xf32, #tpu.memory_space<hbm>>
      %dma_wait3A_272 = arith.constant 0 : i32
      %dma_wait3A_273 = arith.constant 0 : i32
      %dma_wait3A_274 = tpu.memref_slice %arg4[%add3A_267, %dma_wait3A_272, %dma_wait3A_273] : memref<4096x200x64xf32, #tpu.memory_space<hbm>> -> memref<1x200x64xf32, #tpu.memory_space<hbm>>
      %dma_wait3A_275 = tpu.memref_squeeze %dma_wait3A_274 : memref<1x200x64xf32, #tpu.memory_space<hbm>> -> memref<200x64xf32, #tpu.memory_space<hbm>>
      tpu.wait_dma2 semaphore(%arg16 : memref<!tpu.dma_semaphore, #tpu.memory_space<semaphore_mem>>) src(%arg8 : memref<200x64xf32, #tpu.memory_space<vmem>>) dst(%dma_wait3A_275 : memref<200x64xf32, #tpu.memory_space<hbm>>)
      %dma_start3A_276 = arith.constant 0 : i32
      %dma_start3A_277 = tpu.memref_slice %arg5[%add3A_264, %dma_start3A_276] : memref<128x200xi32, #tpu.memory_space<vmem>> -> memref<1x200xi32, #tpu.memory_space<vmem>>
      %dma_start3A_278 = tpu.memref_squeeze %dma_start3A_277 : memref<1x200xi32, #tpu.memory_space<vmem>> -> memref<200xi32, #tpu.memory_space<vmem>>
      %dma_start3A_279 = arith.constant 0 : i32
      %dma_start3A_280 = arith.constant 0 : i32
      %dma_start3A_281 = tpu.memref_slice %arg3[%dma_start3A_279, %dma_start3A_280] : memref<1000000x64xf32, #tpu.memory_space<hbm>> -> memref<1000000x64xf32, #tpu.memory_space<hbm>>
      tpu.enqueue_indirect_dma source(%dma_start3A_281 : memref<1000000x64xf32, #tpu.memory_space<hbm>>) target(%arg8 : memref<200x64xf32, #tpu.memory_space<vmem>>) offsets(%dma_start3A_278 : memref<200xi32, #tpu.memory_space<vmem>>) semaphore(%arg12 : memref<!tpu.dma_semaphore, #tpu.memory_space<semaphore_mem>>)
      %mul3A_282 = arith.constant 4 : i32
      %mul3A_283 = arith.muli %scan3A_153, %mul3A_282 : i32
      %add3A_284 = arith.constant 2 : i32
      %add3A_285 = arith.addi %add3A_284, %mul3A_283 : i32
      %add3A_286 = arith.constant 3 : i32
      %add3A_287 = arith.addi %add3A_285, %add3A_286 : i32
      %dma_wait3A_288 = arith.constant 0 : i32
      %dma_wait3A_289 = tpu.memref_slice %arg5[%add3A_287, %dma_wait3A_288] : memref<128x200xi32, #tpu.memory_space<vmem>> -> memref<1x200xi32, #tpu.memory_space<vmem>>
      %dma_wait3A_290 = tpu.memref_squeeze %dma_wait3A_289 : memref<1x200xi32, #tpu.memory_space<vmem>> -> memref<200xi32, #tpu.memory_space<vmem>>
      %dma_wait3A_291 = arith.constant 0 : i32
      %dma_wait3A_292 = arith.constant 0 : i32
      %dma_wait3A_293 = tpu.memref_slice %arg3[%dma_wait3A_291, %dma_wait3A_292] : memref<1000000x64xf32, #tpu.memory_space<hbm>> -> memref<1000000x64xf32, #tpu.memory_space<hbm>>
      tpu.wait_indirect_dma semaphore(%arg11 : memref<!tpu.dma_semaphore, #tpu.memory_space<semaphore_mem>>) src(%dma_wait3A_293 : memref<1000000x64xf32, #tpu.memory_space<hbm>>) dst(%arg7 : memref<200x64xf32, #tpu.memory_space<vmem>>)
      %parallel_loop3A_294 = arith.constant 0 : i32
      %parallel_loop3A_295 = arith.constant 200 : i32
      %parallel_loop3A_296 = arith.constant 1 : i32
      scf.for %parallel_loop3A_325 = %parallel_loop3A_294 to %parallel_loop3A_295 step %parallel_loop3A_296  : i32 {
        %parallel_loop3A_326 = arith.index_cast %parallel_loop3A_325 : i32 to index
        %parallel_loop3A_327 = arith.constant 0 : index
        %parallel_loop3A_328 = tpu.vector_load %arg7[%parallel_loop3A_326, %parallel_loop3A_327] {strides = array<i32>} : memref<200x64xf32, #tpu.memory_space<vmem>>, vector<1x16xf32>,
        %parallel_loop3A_329 = vector.shape_cast %parallel_loop3A_328 : vector<1x16xf32> to vector<16xf32>
        %parallel_loop3A_330 = arith.constant 8.000000e+00 : f32
        %parallel_loop3A_331 = vector.broadcast %parallel_loop3A_330 : f32 to vector<16xf32>
        %parallel_loop3A_332 = arith.mulf %parallel_loop3A_329, %parallel_loop3A_331 : vector<16xf32>
        %parallel_loop3A_333 = arith.index_cast %parallel_loop3A_325 : i32 to index
        %parallel_loop3A_334 = arith.constant 0 : index
        %parallel_loop3A_335 = tpu.vector_load %arg7[%parallel_loop3A_333, %parallel_loop3A_334] {strides = array<i32>} : memref<200x64xf32, #tpu.memory_space<vmem>>, vector<1x16xf32>,
        %parallel_loop3A_336 = vector.shape_cast %parallel_loop3A_335 : vector<1x16xf32> to vector<16xf32>
        %parallel_loop3A_337 = vector.shape_cast %parallel_loop3A_332 : vector<16xf32> to vector<1x16xf32>
        tpu.vector_store %arg7[%parallel_loop3A_333, %parallel_loop3A_334], %parallel_loop3A_337 {strides = array<i32>} : memref<200x64xf32, #tpu.memory_space<vmem>>, vector<1x16xf32>,
        %parallel_loop3A_338 = arith.index_cast %parallel_loop3A_325 : i32 to index
        %parallel_loop3A_339 = arith.constant 16 : index
        %parallel_loop3A_340 = tpu.vector_load %arg7[%parallel_loop3A_338, %parallel_loop3A_339] {strides = array<i32>} : memref<200x64xf32, #tpu.memory_space<vmem>>, vector<1x16xf32>,
        %parallel_loop3A_341 = vector.shape_cast %parallel_loop3A_340 : vector<1x16xf32> to vector<16xf32>
        %parallel_loop3A_342 = arith.constant 8.000000e+00 : f32
        %parallel_loop3A_343 = vector.broadcast %parallel_loop3A_342 : f32 to vector<16xf32>
        %parallel_loop3A_344 = arith.mulf %parallel_loop3A_341, %parallel_loop3A_343 : vector<16xf32>
        %parallel_loop3A_345 = arith.index_cast %parallel_loop3A_325 : i32 to index
        %parallel_loop3A_346 = arith.constant 16 : index
        %parallel_loop3A_347 = tpu.vector_load %arg7[%parallel_loop3A_345, %parallel_loop3A_346] {strides = array<i32>} : memref<200x64xf32, #tpu.memory_space<vmem>>, vector<1x16xf32>,
        %parallel_loop3A_348 = vector.shape_cast %parallel_loop3A_347 : vector<1x16xf32> to vector<16xf32>
        %parallel_loop3A_349 = vector.shape_cast %parallel_loop3A_344 : vector<16xf32> to vector<1x16xf32>
        tpu.vector_store %arg7[%parallel_loop3A_345, %parallel_loop3A_346], %parallel_loop3A_349 {strides = array<i32>} : memref<200x64xf32, #tpu.memory_space<vmem>>, vector<1x16xf32>,
        %parallel_loop3A_350 = arith.index_cast %parallel_loop3A_325 : i32 to index
        %parallel_loop3A_351 = arith.constant 32 : index
        %parallel_loop3A_352 = tpu.vector_load %arg7[%parallel_loop3A_350, %parallel_loop3A_351] {strides = array<i32>} : memref<200x64xf32, #tpu.memory_space<vmem>>, vector<1x16xf32>,
        %parallel_loop3A_353 = vector.shape_cast %parallel_loop3A_352 : vector<1x16xf32> to vector<16xf32>
        %parallel_loop3A_354 = arith.constant 8.000000e+00 : f32
        %parallel_loop3A_355 = vector.broadcast %parallel_loop3A_354 : f32 to vector<16xf32>
        %parallel_loop3A_356 = arith.mulf %parallel_loop3A_353, %parallel_loop3A_355 : vector<16xf32>
        %parallel_loop3A_357 = arith.index_cast %parallel_loop3A_325 : i32 to index
        %parallel_loop3A_358 = arith.constant 32 : index
        %parallel_loop3A_359 = tpu.vector_load %arg7[%parallel_loop3A_357, %parallel_loop3A_358] {strides = array<i32>} : memref<200x64xf32, #tpu.memory_space<vmem>>, vector<1x16xf32>,
        %parallel_loop3A_360 = vector.shape_cast %parallel_loop3A_359 : vector<1x16xf32> to vector<16xf32>
        %parallel_loop3A_361 = vector.shape_cast %parallel_loop3A_356 : vector<16xf32> to vector<1x16xf32>
        tpu.vector_store %arg7[%parallel_loop3A_357, %parallel_loop3A_358], %parallel_loop3A_361 {strides = array<i32>} : memref<200x64xf32, #tpu.memory_space<vmem>>, vector<1x16xf32>,
        %parallel_loop3A_362 = arith.index_cast %parallel_loop3A_325 : i32 to index
        %parallel_loop3A_363 = arith.constant 48 : index
        %parallel_loop3A_364 = tpu.vector_load %arg7[%parallel_loop3A_362, %parallel_loop3A_363] {strides = array<i32>} : memref<200x64xf32, #tpu.memory_space<vmem>>, vector<1x16xf32>,
        %parallel_loop3A_365 = vector.shape_cast %parallel_loop3A_364 : vector<1x16xf32> to vector<16xf32>
        %parallel_loop3A_366 = arith.constant 8.000000e+00 : f32
        %parallel_loop3A_367 = vector.broadcast %parallel_loop3A_366 : f32 to vector<16xf32>
        %parallel_loop3A_368 = arith.mulf %parallel_loop3A_365, %parallel_loop3A_367 : vector<16xf32>
        %parallel_loop3A_369 = arith.index_cast %parallel_loop3A_325 : i32 to index
        %parallel_loop3A_370 = arith.constant 48 : index
        %parallel_loop3A_371 = tpu.vector_load %arg7[%parallel_loop3A_369, %parallel_loop3A_370] {strides = array<i32>} : memref<200x64xf32, #tpu.memory_space<vmem>>, vector<1x16xf32>,
        %parallel_loop3A_372 = vector.shape_cast %parallel_loop3A_371 : vector<1x16xf32> to vector<16xf32>
        %parallel_loop3A_373 = vector.shape_cast %parallel_loop3A_368 : vector<16xf32> to vector<1x16xf32>
        tpu.vector_store %arg7[%parallel_loop3A_369, %parallel_loop3A_370], %parallel_loop3A_373 {strides = array<i32>} : memref<200x64xf32, #tpu.memory_space<vmem>>, vector<1x16xf32>,
      } {sc.loop_unroll_factor = 8 : i64, sc.parallel_access}
      %add3A_297 = arith.addi %mul3A_2, %add3A_287 : i32
      %dma_start3A_298 = arith.constant 0 : i32
      %dma_start3A_299 = arith.constant 0 : i32
      %dma_start3A_300 = tpu.memref_slice %arg4[%add3A_297, %dma_start3A_298, %dma_start3A_299] : memref<4096x200x64xf32, #tpu.memory_space<hbm>> -> memref<1x200x64xf32, #tpu.memory_space<hbm>>
      %dma_start3A_301 = tpu.memref_squeeze %dma_start3A_300 : memref<1x200x64xf32, #tpu.memory_space<hbm>> -> memref<200x64xf32, #tpu.memory_space<hbm>>
      %dma_start3A_302 = arith.constant 0 : i32
      %dma_start3A_303 = arith.constant 0 : i32
      %dma_start3A_304 = tpu.memref_slice %arg4[%add3A_297, %dma_start3A_302, %dma_start3A_303] : memref<4096x200x64xf32, #tpu.memory_space<hbm>> -> memref<1x200x64xf32, #tpu.memory_space<hbm>>
      %dma_start3A_305 = tpu.memref_squeeze %dma_start3A_304 : memref<1x200x64xf32, #tpu.memory_space<hbm>> -> memref<200x64xf32, #tpu.memory_space<hbm>>
      tpu.enqueue_dma source(%arg7 : memref<200x64xf32, #tpu.memory_space<vmem>>) target(%dma_start3A_305 : memref<200x64xf32, #tpu.memory_space<hbm>>) target_semaphore(%arg15 : memref<!tpu.dma_semaphore, #tpu.memory_space<semaphore_mem>>)
      %add3A_306 = arith.constant 2 : i32
      %add3A_307 = arith.addi %add3A_287, %add3A_306 : i32
      %sub3A_308 = arith.constant 4 : i32
      %sub3A_309 = arith.subi %add3A_307, %sub3A_308 : i32
      %add3A_310 = arith.addi %mul3A_2, %sub3A_309 : i32
      %dma_wait3A_311 = arith.constant 0 : i32
      %dma_wait3A_312 = arith.constant 0 : i32
      %dma_wait3A_313 = tpu.memref_slice %arg4[%add3A_310, %dma_wait3A_311, %dma_wait3A_312] : memref<4096x200x64xf32, #tpu.memory_space<hbm>> -> memref<1x200x64xf32, #tpu.memory_space<hbm>>
      %dma_wait3A_314 = tpu.memref_squeeze %dma_wait3A_313 : memref<1x200x64xf32, #tpu.memory_space<hbm>> -> memref<200x64xf32, #tpu.memory_space<hbm>>
      %dma_wait3A_315 = arith.constant 0 : i32
      %dma_wait3A_316 = arith.constant 0 : i32
      %dma_wait3A_317 = tpu.memref_slice %arg4[%add3A_310, %dma_wait3A_315, %dma_wait3A_316] : memref<4096x200x64xf32, #tpu.memory_space<hbm>> -> memref<1x200x64xf32, #tpu.memory_space<hbm>>
      %dma_wait3A_318 = tpu.memref_squeeze %dma_wait3A_317 : memref<1x200x64xf32, #tpu.memory_space<hbm>> -> memref<200x64xf32, #tpu.memory_space<hbm>>
      tpu.wait_dma2 semaphore(%arg17 : memref<!tpu.dma_semaphore, #tpu.memory_space<semaphore_mem>>) src(%arg9 : memref<200x64xf32, #tpu.memory_space<vmem>>) dst(%dma_wait3A_318 : memref<200x64xf32, #tpu.memory_space<hbm>>)
      %dma_start3A_319 = arith.constant 0 : i32
      %dma_start3A_320 = tpu.memref_slice %arg5[%add3A_307, %dma_start3A_319] : memref<128x200xi32, #tpu.memory_space<vmem>> -> memref<1x200xi32, #tpu.memory_space<vmem>>
      %dma_start3A_321 = tpu.memref_squeeze %dma_start3A_320 : memref<1x200xi32, #tpu.memory_space<vmem>> -> memref<200xi32, #tpu.memory_space<vmem>>
      %dma_start3A_322 = arith.constant 0 : i32
      %dma_start3A_323 = arith.constant 0 : i32
      %dma_start3A_324 = tpu.memref_slice %arg3[%dma_start3A_322, %dma_start3A_323] : memref<1000000x64xf32, #tpu.memory_space<hbm>> -> memref<1000000x64xf32, #tpu.memory_space<hbm>>
      tpu.enqueue_indirect_dma source(%dma_start3A_324 : memref<1000000x64xf32, #tpu.memory_space<hbm>>) target(%arg9 : memref<200x64xf32, #tpu.memory_space<vmem>>) offsets(%dma_start3A_321 : memref<200xi32, #tpu.memory_space<vmem>>) semaphore(%arg13 : memref<!tpu.dma_semaphore, #tpu.memory_space<semaphore_mem>>)
    }
    %scan3A_72 = arith.constant 31 : i32
    %dma_wait3A_73 = arith.constant 126 : i32
    %dma_wait3A_74 = arith.constant 0 : i32
    %dma_wait3A_75 = tpu.memref_slice %arg5[%dma_wait3A_73, %dma_wait3A_74] : memref<128x200xi32, #tpu.memory_space<vmem>> -> memref<1x200xi32, #tpu.memory_space<vmem>>
    %dma_wait3A_76 = tpu.memref_squeeze %dma_wait3A_75 : memref<1x200xi32, #tpu.memory_space<vmem>> -> memref<200xi32, #tpu.memory_space<vmem>>
    %dma_wait3A_77 = arith.constant 0 : i32
    %dma_wait3A_78 = arith.constant 0 : i32
    %dma_wait3A_79 = tpu.memref_slice %arg3[%dma_wait3A_77, %dma_wait3A_78] : memref<1000000x64xf32, #tpu.memory_space<hbm>> -> memref<1000000x64xf32, #tpu.memory_space<hbm>>
    tpu.wait_indirect_dma semaphore(%arg12 : memref<!tpu.dma_semaphore, #tpu.memory_space<semaphore_mem>>) src(%dma_wait3A_79 : memref<1000000x64xf32, #tpu.memory_space<hbm>>) dst(%arg8 : memref<200x64xf32, #tpu.memory_space<vmem>>)
    %parallel_loop3A_80 = arith.constant 0 : i32
    %parallel_loop3A_81 = arith.constant 200 : i32
    %parallel_loop3A_82 = arith.constant 1 : i32
    scf.for %parallel_loop3A_153 = %parallel_loop3A_80 to %parallel_loop3A_81 step %parallel_loop3A_82  : i32 {
      %parallel_loop3A_154 = arith.index_cast %parallel_loop3A_153 : i32 to index
      %parallel_loop3A_155 = arith.constant 0 : index
      %parallel_loop3A_156 = tpu.vector_load %arg8[%parallel_loop3A_154, %parallel_loop3A_155] {strides = array<i32>} : memref<200x64xf32, #tpu.memory_space<vmem>>, vector<1x16xf32>,
      %parallel_loop3A_157 = vector.shape_cast %parallel_loop3A_156 : vector<1x16xf32> to vector<16xf32>
      %parallel_loop3A_158 = arith.constant 8.000000e+00 : f32
      %parallel_loop3A_159 = vector.broadcast %parallel_loop3A_158 : f32 to vector<16xf32>
      %parallel_loop3A_160 = arith.mulf %parallel_loop3A_157, %parallel_loop3A_159 : vector<16xf32>
      %parallel_loop3A_161 = arith.index_cast %parallel_loop3A_153 : i32 to index
      %parallel_loop3A_162 = arith.constant 0 : index
      %parallel_loop3A_163 = tpu.vector_load %arg8[%parallel_loop3A_161, %parallel_loop3A_162] {strides = array<i32>} : memref<200x64xf32, #tpu.memory_space<vmem>>, vector<1x16xf32>,
      %parallel_loop3A_164 = vector.shape_cast %parallel_loop3A_163 : vector<1x16xf32> to vector<16xf32>
      %parallel_loop3A_165 = vector.shape_cast %parallel_loop3A_160 : vector<16xf32> to vector<1x16xf32>
      tpu.vector_store %arg8[%parallel_loop3A_161, %parallel_loop3A_162], %parallel_loop3A_165 {strides = array<i32>} : memref<200x64xf32, #tpu.memory_space<vmem>>, vector<1x16xf32>,
      %parallel_loop3A_166 = arith.index_cast %parallel_loop3A_153 : i32 to index
      %parallel_loop3A_167 = arith.constant 16 : index
      %parallel_loop3A_168 = tpu.vector_load %arg8[%parallel_loop3A_166, %parallel_loop3A_167] {strides = array<i32>} : memref<200x64xf32, #tpu.memory_space<vmem>>, vector<1x16xf32>,
      %parallel_loop3A_169 = vector.shape_cast %parallel_loop3A_168 : vector<1x16xf32> to vector<16xf32>
      %parallel_loop3A_170 = arith.constant 8.000000e+00 : f32
      %parallel_loop3A_171 = vector.broadcast %parallel_loop3A_170 : f32 to vector<16xf32>
      %parallel_loop3A_172 = arith.mulf %parallel_loop3A_169, %parallel_loop3A_171 : vector<16xf32>
      %parallel_loop3A_173 = arith.index_cast %parallel_loop3A_153 : i32 to index
      %parallel_loop3A_174 = arith.constant 16 : index
      %parallel_loop3A_175 = tpu.vector_load %arg8[%parallel_loop3A_173, %parallel_loop3A_174] {strides = array<i32>} : memref<200x64xf32, #tpu.memory_space<vmem>>, vector<1x16xf32>,
      %parallel_loop3A_176 = vector.shape_cast %parallel_loop3A_175 : vector<1x16xf32> to vector<16xf32>
      %parallel_loop3A_177 = vector.shape_cast %parallel_loop3A_172 : vector<16xf32> to vector<1x16xf32>
      tpu.vector_store %arg8[%parallel_loop3A_173, %parallel_loop3A_174], %parallel_loop3A_177 {strides = array<i32>} : memref<200x64xf32, #tpu.memory_space<vmem>>, vector<1x16xf32>,
      %parallel_loop3A_178 = arith.index_cast %parallel_loop3A_153 : i32 to index
      %parallel_loop3A_179 = arith.constant 32 : index
      %parallel_loop3A_180 = tpu.vector_load %arg8[%parallel_loop3A_178, %parallel_loop3A_179] {strides = array<i32>} : memref<200x64xf32, #tpu.memory_space<vmem>>, vector<1x16xf32>,
      %parallel_loop3A_181 = vector.shape_cast %parallel_loop3A_180 : vector<1x16xf32> to vector<16xf32>
      %parallel_loop3A_182 = arith.constant 8.000000e+00 : f32
      %parallel_loop3A_183 = vector.broadcast %parallel_loop3A_182 : f32 to vector<16xf32>
      %parallel_loop3A_184 = arith.mulf %parallel_loop3A_181, %parallel_loop3A_183 : vector<16xf32>
      %parallel_loop3A_185 = arith.index_cast %parallel_loop3A_153 : i32 to index
      %parallel_loop3A_186 = arith.constant 32 : index
      %parallel_loop3A_187 = tpu.vector_load %arg8[%parallel_loop3A_185, %parallel_loop3A_186] {strides = array<i32>} : memref<200x64xf32, #tpu.memory_space<vmem>>, vector<1x16xf32>,
      %parallel_loop3A_188 = vector.shape_cast %parallel_loop3A_187 : vector<1x16xf32> to vector<16xf32>
      %parallel_loop3A_189 = vector.shape_cast %parallel_loop3A_184 : vector<16xf32> to vector<1x16xf32>
      tpu.vector_store %arg8[%parallel_loop3A_185, %parallel_loop3A_186], %parallel_loop3A_189 {strides = array<i32>} : memref<200x64xf32, #tpu.memory_space<vmem>>, vector<1x16xf32>,
      %parallel_loop3A_190 = arith.index_cast %parallel_loop3A_153 : i32 to index
      %parallel_loop3A_191 = arith.constant 48 : index
      %parallel_loop3A_192 = tpu.vector_load %arg8[%parallel_loop3A_190, %parallel_loop3A_191] {strides = array<i32>} : memref<200x64xf32, #tpu.memory_space<vmem>>, vector<1x16xf32>,
      %parallel_loop3A_193 = vector.shape_cast %parallel_loop3A_192 : vector<1x16xf32> to vector<16xf32>
      %parallel_loop3A_194 = arith.constant 8.000000e+00 : f32
      %parallel_loop3A_195 = vector.broadcast %parallel_loop3A_194 : f32 to vector<16xf32>
      %parallel_loop3A_196 = arith.mulf %parallel_loop3A_193, %parallel_loop3A_195 : vector<16xf32>
      %parallel_loop3A_197 = arith.index_cast %parallel_loop3A_153 : i32 to index
      %parallel_loop3A_198 = arith.constant 48 : index
      %parallel_loop3A_199 = tpu.vector_load %arg8[%parallel_loop3A_197, %parallel_loop3A_198] {strides = array<i32>} : memref<200x64xf32, #tpu.memory_space<vmem>>, vector<1x16xf32>,
      %parallel_loop3A_200 = vector.shape_cast %parallel_loop3A_199 : vector<1x16xf32> to vector<16xf32>
      %parallel_loop3A_201 = vector.shape_cast %parallel_loop3A_196 : vector<16xf32> to vector<1x16xf32>
      tpu.vector_store %arg8[%parallel_loop3A_197, %parallel_loop3A_198], %parallel_loop3A_201 {strides = array<i32>} : memref<200x64xf32, #tpu.memory_space<vmem>>, vector<1x16xf32>,
    } {sc.loop_unroll_factor = 8 : i64, sc.parallel_access}
    %add3A_83 = arith.constant 126 : i32
    %add3A_84 = arith.addi %mul3A_2, %add3A_83 : i32
    %dma_start3A_85 = arith.constant 0 : i32
    %dma_start3A_86 = arith.constant 0 : i32
    %dma_start3A_87 = tpu.memref_slice %arg4[%add3A_84, %dma_start3A_85, %dma_start3A_86] : memref<4096x200x64xf32, #tpu.memory_space<hbm>> -> memref<1x200x64xf32, #tpu.memory_space<hbm>>
    %dma_start3A_88 = tpu.memref_squeeze %dma_start3A_87 : memref<1x200x64xf32, #tpu.memory_space<hbm>> -> memref<200x64xf32, #tpu.memory_space<hbm>>
    %dma_start3A_89 = arith.constant 0 : i32
    %dma_start3A_90 = arith.constant 0 : i32
    %dma_start3A_91 = tpu.memref_slice %arg4[%add3A_84, %dma_start3A_89, %dma_start3A_90] : memref<4096x200x64xf32, #tpu.memory_space<hbm>> -> memref<1x200x64xf32, #tpu.memory_space<hbm>>
    %dma_start3A_92 = tpu.memref_squeeze %dma_start3A_91 : memref<1x200x64xf32, #tpu.memory_space<hbm>> -> memref<200x64xf32, #tpu.memory_space<hbm>>
    tpu.enqueue_dma source(%arg8 : memref<200x64xf32, #tpu.memory_space<vmem>>) target(%dma_start3A_92 : memref<200x64xf32, #tpu.memory_space<hbm>>) target_semaphore(%arg16 : memref<!tpu.dma_semaphore, #tpu.memory_space<semaphore_mem>>)
    %dma_wait3A_93 = arith.constant 127 : i32
    %dma_wait3A_94 = arith.constant 0 : i32
    %dma_wait3A_95 = tpu.memref_slice %arg5[%dma_wait3A_93, %dma_wait3A_94] : memref<128x200xi32, #tpu.memory_space<vmem>> -> memref<1x200xi32, #tpu.memory_space<vmem>>
    %dma_wait3A_96 = tpu.memref_squeeze %dma_wait3A_95 : memref<1x200xi32, #tpu.memory_space<vmem>> -> memref<200xi32, #tpu.memory_space<vmem>>
    %dma_wait3A_97 = arith.constant 0 : i32
    %dma_wait3A_98 = arith.constant 0 : i32
    %dma_wait3A_99 = tpu.memref_slice %arg3[%dma_wait3A_97, %dma_wait3A_98] : memref<1000000x64xf32, #tpu.memory_space<hbm>> -> memref<1000000x64xf32, #tpu.memory_space<hbm>>
    tpu.wait_indirect_dma semaphore(%arg13 : memref<!tpu.dma_semaphore, #tpu.memory_space<semaphore_mem>>) src(%dma_wait3A_99 : memref<1000000x64xf32, #tpu.memory_space<hbm>>) dst(%arg9 : memref<200x64xf32, #tpu.memory_space<vmem>>)
    %parallel_loop3A_100 = arith.constant 0 : i32
    %parallel_loop3A_101 = arith.constant 200 : i32
    %parallel_loop3A_102 = arith.constant 1 : i32
    scf.for %parallel_loop3A_153 = %parallel_loop3A_100 to %parallel_loop3A_101 step %parallel_loop3A_102  : i32 {
      %parallel_loop3A_154 = arith.index_cast %parallel_loop3A_153 : i32 to index
      %parallel_loop3A_155 = arith.constant 0 : index
      %parallel_loop3A_156 = tpu.vector_load %arg9[%parallel_loop3A_154, %parallel_loop3A_155] {strides = array<i32>} : memref<200x64xf32, #tpu.memory_space<vmem>>, vector<1x16xf32>,
      %parallel_loop3A_157 = vector.shape_cast %parallel_loop3A_156 : vector<1x16xf32> to vector<16xf32>
      %parallel_loop3A_158 = arith.constant 8.000000e+00 : f32
      %parallel_loop3A_159 = vector.broadcast %parallel_loop3A_158 : f32 to vector<16xf32>
      %parallel_loop3A_160 = arith.mulf %parallel_loop3A_157, %parallel_loop3A_159 : vector<16xf32>
      %parallel_loop3A_161 = arith.index_cast %parallel_loop3A_153 : i32 to index
      %parallel_loop3A_162 = arith.constant 0 : index
      %parallel_loop3A_163 = tpu.vector_load %arg9[%parallel_loop3A_161, %parallel_loop3A_162] {strides = array<i32>} : memref<200x64xf32, #tpu.memory_space<vmem>>, vector<1x16xf32>,
      %parallel_loop3A_164 = vector.shape_cast %parallel_loop3A_163 : vector<1x16xf32> to vector<16xf32>
      %parallel_loop3A_165 = vector.shape_cast %parallel_loop3A_160 : vector<16xf32> to vector<1x16xf32>
      tpu.vector_store %arg9[%parallel_loop3A_161, %parallel_loop3A_162], %parallel_loop3A_165 {strides = array<i32>} : memref<200x64xf32, #tpu.memory_space<vmem>>, vector<1x16xf32>,
      %parallel_loop3A_166 = arith.index_cast %parallel_loop3A_153 : i32 to index
      %parallel_loop3A_167 = arith.constant 16 : index
      %parallel_loop3A_168 = tpu.vector_load %arg9[%parallel_loop3A_166, %parallel_loop3A_167] {strides = array<i32>} : memref<200x64xf32, #tpu.memory_space<vmem>>, vector<1x16xf32>,
      %parallel_loop3A_169 = vector.shape_cast %parallel_loop3A_168 : vector<1x16xf32> to vector<16xf32>
      %parallel_loop3A_170 = arith.constant 8.000000e+00 : f32
      %parallel_loop3A_171 = vector.broadcast %parallel_loop3A_170 : f32 to vector<16xf32>
      %parallel_loop3A_172 = arith.mulf %parallel_loop3A_169, %parallel_loop3A_171 : vector<16xf32>
      %parallel_loop3A_173 = arith.index_cast %parallel_loop3A_153 : i32 to index
      %parallel_loop3A_174 = arith.constant 16 : index
      %parallel_loop3A_175 = tpu.vector_load %arg9[%parallel_loop3A_173, %parallel_loop3A_174] {strides = array<i32>} : memref<200x64xf32, #tpu.memory_space<vmem>>, vector<1x16xf32>,
      %parallel_loop3A_176 = vector.shape_cast %parallel_loop3A_175 : vector<1x16xf32> to vector<16xf32>
      %parallel_loop3A_177 = vector.shape_cast %parallel_loop3A_172 : vector<16xf32> to vector<1x16xf32>
      tpu.vector_store %arg9[%parallel_loop3A_173, %parallel_loop3A_174], %parallel_loop3A_177 {strides = array<i32>} : memref<200x64xf32, #tpu.memory_space<vmem>>, vector<1x16xf32>,
      %parallel_loop3A_178 = arith.index_cast %parallel_loop3A_153 : i32 to index
      %parallel_loop3A_179 = arith.constant 32 : index
      %parallel_loop3A_180 = tpu.vector_load %arg9[%parallel_loop3A_178, %parallel_loop3A_179] {strides = array<i32>} : memref<200x64xf32, #tpu.memory_space<vmem>>, vector<1x16xf32>,
      %parallel_loop3A_181 = vector.shape_cast %parallel_loop3A_180 : vector<1x16xf32> to vector<16xf32>
      %parallel_loop3A_182 = arith.constant 8.000000e+00 : f32
      %parallel_loop3A_183 = vector.broadcast %parallel_loop3A_182 : f32 to vector<16xf32>
      %parallel_loop3A_184 = arith.mulf %parallel_loop3A_181, %parallel_loop3A_183 : vector<16xf32>
      %parallel_loop3A_185 = arith.index_cast %parallel_loop3A_153 : i32 to index
      %parallel_loop3A_186 = arith.constant 32 : index
      %parallel_loop3A_187 = tpu.vector_load %arg9[%parallel_loop3A_185, %parallel_loop3A_186] {strides = array<i32>} : memref<200x64xf32, #tpu.memory_space<vmem>>, vector<1x16xf32>,
      %parallel_loop3A_188 = vector.shape_cast %parallel_loop3A_187 : vector<1x16xf32> to vector<16xf32>
      %parallel_loop3A_189 = vector.shape_cast %parallel_loop3A_184 : vector<16xf32> to vector<1x16xf32>
      tpu.vector_store %arg9[%parallel_loop3A_185, %parallel_loop3A_186], %parallel_loop3A_189 {strides = array<i32>} : memref<200x64xf32, #tpu.memory_space<vmem>>, vector<1x16xf32>,
      %parallel_loop3A_190 = arith.index_cast %parallel_loop3A_153 : i32 to index
      %parallel_loop3A_191 = arith.constant 48 : index
      %parallel_loop3A_192 = tpu.vector_load %arg9[%parallel_loop3A_190, %parallel_loop3A_191] {strides = array<i32>} : memref<200x64xf32, #tpu.memory_space<vmem>>, vector<1x16xf32>,
      %parallel_loop3A_193 = vector.shape_cast %parallel_loop3A_192 : vector<1x16xf32> to vector<16xf32>
      %parallel_loop3A_194 = arith.constant 8.000000e+00 : f32
      %parallel_loop3A_195 = vector.broadcast %parallel_loop3A_194 : f32 to vector<16xf32>
      %parallel_loop3A_196 = arith.mulf %parallel_loop3A_193, %parallel_loop3A_195 : vector<16xf32>
      %parallel_loop3A_197 = arith.index_cast %parallel_loop3A_153 : i32 to index
      %parallel_loop3A_198 = arith.constant 48 : index
      %parallel_loop3A_199 = tpu.vector_load %arg9[%parallel_loop3A_197, %parallel_loop3A_198] {strides = array<i32>} : memref<200x64xf32, #tpu.memory_space<vmem>>, vector<1x16xf32>,
      %parallel_loop3A_200 = vector.shape_cast %parallel_loop3A_199 : vector<1x16xf32> to vector<16xf32>
      %parallel_loop3A_201 = vector.shape_cast %parallel_loop3A_196 : vector<16xf32> to vector<1x16xf32>
      tpu.vector_store %arg9[%parallel_loop3A_197, %parallel_loop3A_198], %parallel_loop3A_201 {strides = array<i32>} : memref<200x64xf32, #tpu.memory_space<vmem>>, vector<1x16xf32>,
    } {sc.loop_unroll_factor = 8 : i64, sc.parallel_access}
    %add3A_103 = arith.constant 127 : i32
    %add3A_104 = arith.addi %mul3A_2, %add3A_103 : i32
    %dma_start3A_105 = arith.constant 0 : i32
    %dma_start3A_106 = arith.constant 0 : i32
    %dma_start3A_107 = tpu.memref_slice %arg4[%add3A_104, %dma_start3A_105, %dma_start3A_106] : memref<4096x200x64xf32, #tpu.memory_space<hbm>> -> memref<1x200x64xf32, #tpu.memory_space<hbm>>
    %dma_start3A_108 = tpu.memref_squeeze %dma_start3A_107 : memref<1x200x64xf32, #tpu.memory_space<hbm>> -> memref<200x64xf32, #tpu.memory_space<hbm>>
    %dma_start3A_109 = arith.constant 0 : i32
    %dma_start3A_110 = arith.constant 0 : i32
    %dma_start3A_111 = tpu.memref_slice %arg4[%add3A_104, %dma_start3A_109, %dma_start3A_110] : memref<4096x200x64xf32, #tpu.memory_space<hbm>> -> memref<1x200x64xf32, #tpu.memory_space<hbm>>
    %dma_start3A_112 = tpu.memref_squeeze %dma_start3A_111 : memref<1x200x64xf32, #tpu.memory_space<hbm>> -> memref<200x64xf32, #tpu.memory_space<hbm>>
    tpu.enqueue_dma source(%arg9 : memref<200x64xf32, #tpu.memory_space<vmem>>) target(%dma_start3A_112 : memref<200x64xf32, #tpu.memory_space<hbm>>) target_semaphore(%arg17 : memref<!tpu.dma_semaphore, #tpu.memory_space<semaphore_mem>>)
    %add3A_113 = arith.constant 124 : i32
    %add3A_114 = arith.addi %mul3A_2, %add3A_113 : i32
    %dma_wait3A_115 = arith.constant 0 : i32
    %dma_wait3A_116 = arith.constant 0 : i32
    %dma_wait3A_117 = tpu.memref_slice %arg4[%add3A_114, %dma_wait3A_115, %dma_wait3A_116] : memref<4096x200x64xf32, #tpu.memory_space<hbm>> -> memref<1x200x64xf32, #tpu.memory_space<hbm>>
    %dma_wait3A_118 = tpu.memref_squeeze %dma_wait3A_117 : memref<1x200x64xf32, #tpu.memory_space<hbm>> -> memref<200x64xf32, #tpu.memory_space<hbm>>
    %dma_wait3A_119 = arith.constant 0 : i32
    %dma_wait3A_120 = arith.constant 0 : i32
    %dma_wait3A_121 = tpu.memref_slice %arg4[%add3A_114, %dma_wait3A_119, %dma_wait3A_120] : memref<4096x200x64xf32, #tpu.memory_space<hbm>> -> memref<1x200x64xf32, #tpu.memory_space<hbm>>
    %dma_wait3A_122 = tpu.memref_squeeze %dma_wait3A_121 : memref<1x200x64xf32, #tpu.memory_space<hbm>> -> memref<200x64xf32, #tpu.memory_space<hbm>>
    tpu.wait_dma2 semaphore(%arg14 : memref<!tpu.dma_semaphore, #tpu.memory_space<semaphore_mem>>) src(%arg6 : memref<200x64xf32, #tpu.memory_space<vmem>>) dst(%dma_wait3A_122 : memref<200x64xf32, #tpu.memory_space<hbm>>)
    %add3A_123 = arith.constant 125 : i32
    %add3A_124 = arith.addi %mul3A_2, %add3A_123 : i32
    %dma_wait3A_125 = arith.constant 0 : i32
    %dma_wait3A_126 = arith.constant 0 : i32
    %dma_wait3A_127 = tpu.memref_slice %arg4[%add3A_124, %dma_wait3A_125, %dma_wait3A_126] : memref<4096x200x64xf32, #tpu.memory_space<hbm>> -> memref<1x200x64xf32, #tpu.memory_space<hbm>>
    %dma_wait3A_128 = tpu.memref_squeeze %dma_wait3A_127 : memref<1x200x64xf32, #tpu.memory_space<hbm>> -> memref<200x64xf32, #tpu.memory_space<hbm>>
    %dma_wait3A_129 = arith.constant 0 : i32
    %dma_wait3A_130 = arith.constant 0 : i32
    %dma_wait3A_131 = tpu.memref_slice %arg4[%add3A_124, %dma_wait3A_129, %dma_wait3A_130] : memref<4096x200x64xf32, #tpu.memory_space<hbm>> -> memref<1x200x64xf32, #tpu.memory_space<hbm>>
    %dma_wait3A_132 = tpu.memref_squeeze %dma_wait3A_131 : memref<1x200x64xf32, #tpu.memory_space<hbm>> -> memref<200x64xf32, #tpu.memory_space<hbm>>
    tpu.wait_dma2 semaphore(%arg15 : memref<!tpu.dma_semaphore, #tpu.memory_space<semaphore_mem>>) src(%arg7 : memref<200x64xf32, #tpu.memory_space<vmem>>) dst(%dma_wait3A_132 : memref<200x64xf32, #tpu.memory_space<hbm>>)
    %add3A_133 = arith.constant 126 : i32
    %add3A_134 = arith.addi %mul3A_2, %add3A_133 : i32
    %dma_wait3A_135 = arith.constant 0 : i32
    %dma_wait3A_136 = arith.constant 0 : i32
    %dma_wait3A_137 = tpu.memref_slice %arg4[%add3A_134, %dma_wait3A_135, %dma_wait3A_136] : memref<4096x200x64xf32, #tpu.memory_space<hbm>> -> memref<1x200x64xf32, #tpu.memory_space<hbm>>
    %dma_wait3A_138 = tpu.memref_squeeze %dma_wait3A_137 : memref<1x200x64xf32, #tpu.memory_space<hbm>> -> memref<200x64xf32, #tpu.memory_space<hbm>>
    %dma_wait3A_139 = arith.constant 0 : i32
    %dma_wait3A_140 = arith.constant 0 : i32
    %dma_wait3A_141 = tpu.memref_slice %arg4[%add3A_134, %dma_wait3A_139, %dma_wait3A_140] : memref<4096x200x64xf32, #tpu.memory_space<hbm>> -> memref<1x200x64xf32, #tpu.memory_space<hbm>>
    %dma_wait3A_142 = tpu.memref_squeeze %dma_wait3A_141 : memref<1x200x64xf32, #tpu.memory_space<hbm>> -> memref<200x64xf32, #tpu.memory_space<hbm>>
    tpu.wait_dma2 semaphore(%arg16 : memref<!tpu.dma_semaphore, #tpu.memory_space<semaphore_mem>>) src(%arg8 : memref<200x64xf32, #tpu.memory_space<vmem>>) dst(%dma_wait3A_142 : memref<200x64xf32, #tpu.memory_space<hbm>>)
    %add3A_143 = arith.constant 127 : i32
    %add3A_144 = arith.addi %mul3A_2, %add3A_143 : i32
    %dma_wait3A_145 = arith.constant 0 : i32
    %dma_wait3A_146 = arith.constant 0 : i32
    %dma_wait3A_147 = tpu.memref_slice %arg4[%add3A_144, %dma_wait3A_145, %dma_wait3A_146] : memref<4096x200x64xf32, #tpu.memory_space<hbm>> -> memref<1x200x64xf32, #tpu.memory_space<hbm>>
    %dma_wait3A_148 = tpu.memref_squeeze %dma_wait3A_147 : memref<1x200x64xf32, #tpu.memory_space<hbm>> -> memref<200x64xf32, #tpu.memory_space<hbm>>
    %dma_wait3A_149 = arith.constant 0 : i32
    %dma_wait3A_150 = arith.constant 0 : i32
    %dma_wait3A_151 = tpu.memref_slice %arg4[%add3A_144, %dma_wait3A_149, %dma_wait3A_150] : memref<4096x200x64xf32, #tpu.memory_space<hbm>> -> memref<1x200x64xf32, #tpu.memory_space<hbm>>
    %dma_wait3A_152 = tpu.memref_squeeze %dma_wait3A_151 : memref<1x200x64xf32, #tpu.memory_space<hbm>> -> memref<200x64xf32, #tpu.memory_space<hbm>>
    tpu.wait_dma2 semaphore(%arg17 : memref<!tpu.dma_semaphore, #tpu.memory_space<semaphore_mem>>) src(%arg9 : memref<200x64xf32, #tpu.memory_space<vmem>>) dst(%dma_wait3A_152 : memref<200x64xf32, #tpu.memory_space<hbm>>)
    return
  }
}

</mosaic_0001>

<sc_bundles>
// kernel: kernel.3.cloned.1.call-start
scs
__scs_entry_jumppad:
0x0: {  	(pc) =	sbr.rel $0x88, $3  }
0x1: {  	(tag) =	ssettag $0x0;
	lr =	simm.s32 $0x1  }
0x2: {  	[smem:$0x3F9F] =	sst lr;
	_ =	strace $0xD0000000  }
0x3: {  	_ = 	snop  }
0x4: {  	_ = 	snop  }
0x5: {  	_ = 	snop  }
0x6: {  	_ = 	snop  }
0x7: {  	_ = 	snop  }
__scs_overlays_trampoline_lowered:
0x8: {  	[smem:$0x3FAE] =	sst s0  }
0x9: {  	[smem:$0x3FAF] =	sst s1  }
0xa: {  	[smem:$0x3FB0] =	sst s2  }
0xb: {  	[smem:$0x3FB1] =	sst s3  }
0xc: {  	[smem:$0x3FB2] =	sst s4  }
0xd: {  	[smem:$0x3FB3] =	sst s5  }
0xe: {  	[smem:$0x3FB4] =	sst s6  }
0xf: {  	[smem:$0x3FB5] =	sst s7  }
0x10: {  	[smem:$0x3FB6] =	sst s8  }
0x11: {  	[smem:$0x3FB7] =	sst s9;
	s0 =	simm.s32 @!p0 $0x0  }
0x12: {  	s1 =	sld [smem:$0x3F9D];
	s0 =	simm.s32 @p0 $0x1  }
0x13: {  	[smem:$0x3FB8] =	sst s0;
	s0 =	simm.s32 @!p1 $0x0  }
0x14: {  	s2 =	sld [smem:$0x3F9C];
	s0 =	simm.s32 @p1 $0x1  }
0x15: {  	[smem:$0x3FB9] =	sst s0;
	s0 =	simm.s32 @!p2 $0x0  }
0x16: {  	s3 =	sld [smem:$0x3FDB];
	s0 =	simm.s32 @p2 $0x1  }
0x17: {  	s4 =	simm.s32 $0x1BF5;
	[smem:$0x3FBB] =	sst s0  }
0x18: {  	s0 =	sld [smem:$0x3F9E];
	_ =	swait.ge [sflag:s4], $0x0  }
0x19: {  	s7 =	sld [smem:$0x3F9F]  }
0x1a: {  	s8 =	sadd.s32 $0xFFFFE003, lr  }
0x1b: {  	s9 =	sadd.s32 $0xFFFFFEF7, lr;
	s5 =	simm.s32 $0xFFFFFFFF;
	p2 =	slt.u32 s8, $0xFFFFF086  }
0x1c: {  	p1 =	slt.u32 s9, $0xF7A;
	s5 =	simm.s32 @!p2 $0x0  }
0x1d: {  	s5 =	simm.s32 @p1 $0x1;
	p0 =	seq.s32 s7, s2  }
0x1e: {  	s7 =	smul.u32 @!p0 $0xF7A, s2;
	p2 =	seq.s32 @!p0 s5, $0x0  }
0x1f: {  	s9 =	smul.u32 $0xF7A, s1;
	s8 =	simm.s32 @!p0 $0x1BF5;
	p2 =	por !p2, p0  }
0x20: {  	[sflag:s8] =	ssyncset.s32 @!p0 $0xFFFFF086;
	s6 =	sadd.s32 @!p0 s3, s7;
	s7 =	simm.s32 @!p0 $0x108  }
0x21: {  	s3 =	sadd.s32 s3, s9;
	s6 =	sadd.s32 @!p0 $0x88, s6;
	s7 =	simm.s32 @p2 $0x1082  }
0x22: {  	[simem:s7], [sflag:s8] =	dma.local @!p0 [hbm:s6], $0xF7A  }
0x23: {  	s9 =	sor.u32 $0xD0000000, s2;
	s6 =	simm.s32 $0x108;
	_ =	swait.ge @!p0 [sflag:s8], $0x0  }
0x24: {  	s3 =	sadd.s32 $0x88, s3;
	s6 =	simm.s32 @!p1 $0x1082;
	[sflag:s4] =	ssyncset.s32 $0xFFFFF086  }
0x25: {  	[simem:s6], [sflag:s4] =	dma.local [hbm:s3], $0xF7A  }
0x26: {  	[smem:$0x3F9F] =	sst s1;
	(tag) =	ssettag s2;
	_ =	strace s9  }
0x27: {  	s1 =	sld [smem:$0x3FAF]  }
0x28: {  	s2 =	sld [smem:$0x3FB0]  }
0x29: {  	s4 =	sld [smem:$0x3FB2]  }
0x2a: {  	p0 =	seq.s32 s5, $0x0;
	s5 =	sld [smem:$0x3FB3]  }
0x2b: {  	s6 =	sld [smem:$0x3FB4]  }
0x2c: {  	s7 =	sld [smem:$0x3FB5]  }
0x2d: {  	s3 =	simm.s32 $0x108;
	s8 =	sld [smem:$0x3FB6]  }
0x2e: {  	s3 =	simm.s32 @!p0 $0x1082;
	s9 =	sld [smem:$0x3FB7]  }
0x2f: {  	lr =	sadd.s32 s0, s3;
	s0 =	sld [smem:$0x3FAE]  }
0x30: {  	s3 =	sld [smem:$0x3FB1]  }
0x31: {  	[smem:$0x3FBA] =	sst s10  }
0x32: {  	s10 =	sld [smem:$0x3FB8];
	_ =	sdelay $0x3  }
0x33: {  	p0 =	seq.s32 s10, $0x1;
	s10 =	sld [smem:$0x3FBA];
	_ =	sdelay $0x3  }
0x34: {  	[smem:$0x3FBA] =	sst s10  }
0x35: {  	s10 =	sld [smem:$0x3FB9];
	_ =	sdelay $0x3  }
0x36: {  	p1 =	seq.s32 s10, $0x1;
	s10 =	sld [smem:$0x3FBA];
	_ =	sdelay $0x3  }
0x37: {  	[smem:$0x3FBA] =	sst s10  }
0x38: {  	s10 =	sld [smem:$0x3FBB]  }
0x39: {  	_ = 	snop;
	(pc) =	sbr.ind lr, $3  }
0x3a: {  	_ = 	snop  }
0x3b: {  	_ = 	snop  }
0x3c: {  	p2 =	seq.s32 s10, $0x1;
	s10 =	sld [smem:$0x3FBA]  }
0x3d: {  	_ =	shalt  }
0x3e: {  	_ =	shalt  }
0x3f: {  	_ =	shalt  }
0x40: {  	_ =	shalt  }
0x41: {  	_ =	shalt  }
0x42: {  	_ =	shalt  }
0x43: {  	_ =	shalt  }
0x44: {  	_ =	shalt  }
0x45: {  	_ =	shalt  }
0x46: {  	_ =	shalt  }
0x47: {  	_ =	shalt  }
0x48: {  	_ =	shalt  }
0x49: {  	_ =	shalt  }
0x4a: {  	_ =	shalt  }
0x4b: {  	_ =	shalt  }
0x4c: {  	_ =	shalt  }
0x4d: {  	_ =	shalt  }
0x4e: {  	_ =	shalt  }
0x4f: {  	_ =	shalt  }
0x50: {  	_ =	shalt  }
0x51: {  	_ =	shalt  }
0x52: {  	_ =	shalt  }
0x53: {  	_ =	shalt  }
0x54: {  	_ =	shalt  }
0x55: {  	_ =	shalt  }
0x56: {  	_ =	shalt  }
0x57: {  	_ =	shalt  }
0x58: {  	_ =	shalt  }
0x59: {  	_ =	shalt  }
0x5a: {  	_ =	shalt  }
0x5b: {  	_ =	shalt  }
0x5c: {  	_ =	shalt  }
0x5d: {  	_ =	shalt  }
0x5e: {  	_ =	shalt  }
0x5f: {  	_ =	shalt  }
0x60: {  	_ =	shalt  }
0x61: {  	_ =	shalt  }
0x62: {  	_ =	shalt  }
0x63: {  	_ =	shalt  }
0x64: {  	_ =	shalt  }
0x65: {  	_ =	shalt  }
0x66: {  	_ =	shalt  }
0x67: {  	_ =	shalt  }
0x68: {  	_ =	shalt  }
0x69: {  	_ =	shalt  }
0x6a: {  	_ =	shalt  }
0x6b: {  	_ =	shalt  }
0x6c: {  	_ =	shalt  }
0x6d: {  	_ =	shalt  }
0x6e: {  	_ =	shalt  }
0x6f: {  	_ =	shalt  }
0x70: {  	_ =	shalt  }
0x71: {  	_ =	shalt  }
0x72: {  	_ =	shalt  }
0x73: {  	_ =	shalt  }
0x74: {  	_ =	shalt  }
0x75: {  	_ =	shalt  }
0x76: {  	_ =	shalt  }
0x77: {  	_ =	shalt  }
0x78: {  	_ =	shalt  }
0x79: {  	_ =	shalt  }
0x7a: {  	_ =	shalt  }
0x7b: {  	_ =	shalt  }
0x7c: {  	_ =	shalt  }
0x7d: {  	_ =	shalt  }
0x7e: {  	_ =	shalt  }
0x7f: {  	_ =	shalt  }
0x80: {  	_ =	shalt  }
0x81: {  	_ =	shalt  }
0x82: {  	_ =	shalt  }
0x83: {  	_ =	shalt  }
0x84: {  	_ =	shalt  }
0x85: {  	_ =	shalt  }
0x86: {  	_ =	shalt  }
0x87: {  	_ =	shalt  }
.Lfunc_end0:
.L_simem_size_0:
called_computation.1_lowered:
.L_overlay_start_0:
0x88: {  	s2 =	sld [smem:$0x3FD9]  }
0x89: {  	s3 =	sld [smem:$0x3FFE];
	_ =	sdelay $0x1  }
0x8a: {  	s1 =	srdreg.scid  }
0x8b: {  	s0 =	sand.u32 $0x1, s1  }
0x8c: {  	s17 =	sshll.u32 s0, $0xA;
	s2 =	sadd.s32 s3, s2  }
0x8d: {  	s2 =	sadd.s32 s2, s17  }
0x8e: {  	[smem:$0x3FC6] =	sst s2  }
0x8f: {  	_ = 	snop  }
0x90: {  	s2 =	sld [smem:$0x3FD0];
	(tm) =	ssettm $0x1  }
0x91: {  	s18 =	sld [smem:$0x3FFB];
	_ =	sdelay $0x3  }
0x92: {  	_ =	strace s18  }
0x93: {  	s3 =	sld [smem:$0x3FFC];
	_ =	sdelay $0x3  }
0x94: {  	_ =	strace s3  }
0x95: {  	s3 =	sld [smem:$0x3FFD];
	_ =	sdelay $0x3  }
0x96: {  	_ =	strace s3  }
0x97: {  	_ =	strace $0x8FFFFFFF  }
0x98: {  	s19 =	sld [smem:$0x3FDB];
	_ =	sdelay $0x1  }
0x99: {  	s4 =	simm.s32 $_scs_section_size  }
0x9a: {  	s5 =	simm.s32 $_size__tile_overlayer_lowered;
	s6 =	simm.s32 $_tile_overlayer_lowered  }
0x9b: {  	s22 =	simm.s32 $0x1BFF;
	s21 =	sshll.u32 s6, $0x1;
	s3 =	sadd.s32 s4, s19  }
0x9c: {  	s7 =	simm.s32 $0x0;
	s20 =	sshll.u32 s5, $0x1;
	s5 =	sadd.s32 s21, s3  }
0x9d: {  	[timem:s7], [sflag:s22] =	dma.local [hbm:s5], s20  }
0x9e: {  	_ =	swait.ge [sflag:s22], s20  }
0x9f: {  	s4 =	ssub.s32 $0x0, s20;
	[sflag:s22] =	ssyncset.done $0x0  }
0xa0: {  	[sflag:s22] =	ssyncadd.s32 s4;
	_ =	sdelay $0x1  }
0xa1: {  	s23 =	simm.s32 $0x1B8B  }
0xa2: {  	_ =	swait.ge [sflag:s23], $0x1  }
0xa3: {  	[sflag:s23] =	ssyncset.done $0x0  }
0xa4: {  	s25 =	simm.s32 $0x1B8E;
	s24 =	sld [smem:$0x3FFE];
	[sflag:s23] =	ssyncadd.s32 $0xFFFFFFFF  }
0xa5: {  	s26 =	simm.s32 $execute0_lowered;
	[smem:$0x3FD2] =	sst s25  }
0xa6: {  	s5 =	sshll.u32 s26, $0x1;
	_ =	strace $0x80000046;
	[dreg:$0x1] =	wrdreg $0xFFFFFFFF  }
0xa7: {  	s28 =	simm.s32 $_size_execute0_lowered;
	s3 =	sadd.s32 s3, s5;
	[dreg:$0x0] =	wrdreg $0x0  }
0xa8: {  	s5 =	sshll.u32 s28, $0x1;
	[dreg:$0x2] =	wrdreg s3  }
0xa9: {  	[dreg:$0x3] =	wrdreg s5  }
0xaa: {  	[dreg:$0x4] =	wrdreg $0xC0  }
0xab: {  	_ =	task [dreg:s7], $0x5FFFF  }
0xac: {  	[dreg:$0x1] =	wrdreg $0xFFFFFFFF  }
0xad: {  	[dreg:$0x0] =	wrdreg $0x60  }
0xae: {  	[dreg:$0x2] =	wrdreg s24  }
0xaf: {  	[dreg:$0x3] =	wrdreg s2  }
0xb0: {  	[dreg:$0x4] =	wrdreg $0x9  }
0xb1: {  	_ =	task.clear_ibuf [dreg:s7], $0x5FFFF;
	_ =	strace $0x90000046  }
0xb2: {  	s29 =	simm.s32 $0x9;
	_ =	strace $0x80000048  }
0xb3: {  	_ =	swait.ge [sflag:s29], $0x1  }
0xb4: {  	[sflag:s29] =	ssyncadd.s32 $0xFFFFFFFF  }
0xb5: {  	_ =	strace $0x90000048  }
0xb6: {  	_ =	sfence  }
0xb7: {  	s30 =	sld [smem:$0x0];
	_ =	sdelay $0x2  }
0xb8: {  	s31 =	sshll.u32 s1, $0xD;
	s1 =	sshrl.u32 s1, $0x2  }
0xb9: {  	s3 =	sand.u32 $0x4000, s31;
	s1 =	sadd.s32 s1, s30  }
0xba: {  	s0 =	sor.u32 s3, s0;
	s1 =	sshll.u32 s1, $0x11  }
0xbb: {  	s0 =	sor.u32 s1, s0  }
0xbc: {  	s0 =	sadd.s32 $0x8F2B, s0  }
0xbd: {  	[sflag:s0] =	ssyncadd.remote.s32 $0x1  }
0xbe: {  	_ =	sfence.sel $0xFFFF  }
0xbf: {  	[dreg:$0x0] =	wrdreg $0xFFFFFFFF;
	(pc) =	sbr.abs _section_cstart, $3  }
0xc0: {  	[dreg:$0x1] =	wrdreg $0xFFFFFFFF  }
0xc1: {  	_ =	task.clear_ibuf [dreg:s7], $0x2FFFF;
	_ =	strace $0x9FFFFFFF  }
0xc2: {  	(tm) =	ssettm $0x7FFFFFFF  }
0xc3: {  	_ =	shalt  }
tec
execute0_lowered:
.L_overlay_start_1:
0x0: {  	(tag) =	ssettag $0x1  }
0x1: {  	s0 =	srdreg.scid;
	s1 =	rddreg [dreg:$0x0]  }
0x2: {  	s3 =	stileid.u32;
	s2 =	rddreg [dreg:$0x1]  }
0x3: {  	s12 =	simm.s32 $0x9;
	s13 =	simm.s32 $0xC8;
	s14 =	simm.s32 $0x6400  }
0x4: {  	s15 =	simm.s32 $0x9600;
	s16 =	simm.s32 $0x1;
	s18 =	simm.s32 $0xC800  }
0x5: {  	s19 =	simm.s32 $0x2;
	s21 =	simm.s32 $0xFA00;
	s22 =	simm.s32 $0x3  }
0x6: {  	s23 =	simm.s32 $0x5;
	s24 =	simm.s32 $0x4;
	s25 =	simm.s32 $0x6  }
0x7: {  	s26 =	simm.s32 $0x7;
	s28 =	simm.s32 $0x8;
	s0 =	sand.u32 $0x1, s0  }
0x8: {  	s29 =	simm.s32 $0x0;
	s4 =	sshll.u32 s3, $0x8;
	s5 =	sshll.u32 s0, $0x7  }
0x9: {  	s3 =	simm.s32 $0x0;
	s0 =	ssub.s32 $0x2, s0;
	s4 =	sor.u32 s5, s4  }
0xa: {  	[smem:$0x7FF] =	sst s3;
	s8 =	sshrl.u32 s0, $0x1;
	s5 =	smul.u32 $0x19, s4  }
0xb: {  	_ =	strace $0x80000047;
	s6 =	smul.u32 $0x3200, s4;
	s0 =	ssub.s32 s0, s8  }
0xc: {  	s9 =	smul.u32 $0x640, s4;
	s11 =	smax.u32 s0, $0x1;
	s7 =	sadd.s32 s5, s1  }
0xd: {  	s5 =	sadd.s32 $0xF42E00, s1;
	s30 =	sshrl.u32 s6, $0x3;
	s31 =	sadd.s32 $0xA00, s7  }
0xe: {  	s7 =	sadd.s32 s2, s9;
	s1 =	sadd.s32 s2, s30;
	[dreg:$0x3] =	wrdreg s31  }
0xf: {  	s8 =	sadd.s32 $0x640, s7;
	s9 =	sadd.s32 $0x31380, s1;
	s10 =	sadd.s32 $0x319C0, s1  }
.LBB2_1:
0x10: {  	s0 =	rddreg [dreg:$0x3]  }
0x11: {  	[tilespmem:s3], [sflag:$0x9] =	stream.linear.gather [hbm4b:s0+s3], $0x6400, $0x38;
	[tilespmem:$0x12C00] =	vst v63  }
0x12: {  	_ =	swait.ge [sflag:s12], $0x6400  }
0x13: {  	[sflag:s12] =	ssyncset.done $0x0  }
0x14: {  	[sflag:s12] =	ssyncadd.s32 $0xFFFF9C00  }
0x15: {  	[tilespmem:s14], [sflag:$0x1] =	stream.indirect.gather [hbm4b:s5+s13], $0x40, s3, s13, $0xb8;
	[tilespmem:$0x12C00] =	vst v63  }
0x16: {  	_ = 	snop  }
0x17: {  	[tilespmem:s15], [sflag:$0x2] =	stream.indirect.gather [hbm4b:s5+s13], $0x40, s13, s13, $0xb8;
	[tilespmem:$0x12C00] =	vst v63  }
0x18: {  	_ =	swait.ge [sflag:s16], $0x3200  }
0x19: {  	[sflag:s16] =	ssyncset.done $0x0  }
0x1a: {  	s0 =	simm.s32 $0x6500;
	[sflag:s16] =	ssyncadd.s32 $0xFFFFCE00  }
0x1b: {  	v0 =	vld [tilespmem:s0+$0xF0]  }
0x1c: {  	v1 =	vld [tilespmem:s0+$0xFFFFFF10]  }
0x1d: {  	v2 =	vld [tilespmem:s0+$0xFFFFFF20]  }
0x1e: {  	v3 =	vld [tilespmem:s0+$0xFFFFFF30]  }
0x1f: {  	v4 =	vld [tilespmem:s0+$0xFFFFFF40]  }
0x20: {  	v5 =	vld [tilespmem:s0+$0xFFFFFF50];
	v0 =	vmul.f32 $8.000000000e+00, v0  }
0x21: {  	v6 =	vld [tilespmem:s0+$0xFFFFFF60];
	v1 =	vmul.f32 $8.000000000e+00, v1  }
0x22: {  	v7 =	vld [tilespmem:s0+$0xFFFFFF70];
	v2 =	vmul.f32 $8.000000000e+00, v2;
	[tilespmem:s0+$0xF0] =	vst v0  }
0x23: {  	[tilespmem:s0+$0xFFFFFF10] =	vst v1;
	v0 =	vmul.f32 $8.000000000e+00, v3;
	v1 =	vld [tilespmem:s0+$0xFFFFFF80]  }
0x24: {  	[tilespmem:s0+$0xFFFFFF20] =	vst v2;
	v2 =	vmul.f32 $8.000000000e+00, v4;
	v3 =	vld [tilespmem:s0+$0xFFFFFF90]  }
0x25: {  	v4 =	vld [tilespmem:s0+$0xFFFFFFA0];
	[tilespmem:s0+$0xFFFFFF30] =	vst v0;
	v0 =	vmul.f32 $8.000000000e+00, v5  }
0x26: {  	[tilespmem:s0+$0xFFFFFF40] =	vst v2;
	v2 =	vmul.f32 $8.000000000e+00, v6;
	v5 =	vld [tilespmem:s0+$0xFFFFFFB0]  }
0x27: {  	v6 =	vld [tilespmem:s0+$0xFFFFFFC0];
	[tilespmem:s0+$0xFFFFFF50] =	vst v0;
	v0 =	vmul.f32 $8.000000000e+00, v7  }
0x28: {  	[tilespmem:s0+$0xFFFFFF60] =	vst v2;
	v2 =	vld [tilespmem:s0+$0xFFFFFFD0];
	v1 =	vmul.f32 $8.000000000e+00, v1  }
0x29: {  	[tilespmem:s0+$0xFFFFFF70] =	vst v0;
	v0 =	vmul.f32 $8.000000000e+00, v3;
	v3 =	vld [tilespmem:s0+$0xFFFFFFE0]  }
0x2a: {  	[tilespmem:s0+$0xFFFFFF80] =	vst v1;
	v1 =	vmul.f32 $8.000000000e+00, v4;
	v4 =	vld [tilespmem:s0+$0xFFFFFFF0]  }
0x2b: {  	[tilespmem:s0+$0xFFFFFF90] =	vst v0;
	v0 =	vmul.f32 $8.000000000e+00, v5;
	v5 =	vld [tilespmem:s0+$0x0]  }
0x2c: {  	[tilespmem:s0+$0xFFFFFFA0] =	vst v1;
	v1 =	vmul.f32 $8.000000000e+00, v6;
	v6 =	vld [tilespmem:s0+$0x10]  }
0x2d: {  	[tilespmem:s0+$0xFFFFFFB0] =	vst v0;
	v0 =	vmul.f32 $8.000000000e+00, v2;
	v2 =	vld [tilespmem:s0+$0x20]  }
0x2e: {  	[tilespmem:s0+$0xFFFFFFC0] =	vst v1;
	v1 =	vmul.f32 $8.000000000e+00, v3;
	v3 =	vld [tilespmem:s0+$0x30]  }
0x2f: {  	[tilespmem:s0+$0xFFFFFFD0] =	vst v0;
	v0 =	vmul.f32 $8.000000000e+00, v4;
	v4 =	vld [tilespmem:s0+$0x40]  }
0x30: {  	[tilespmem:s0+$0xFFFFFFE0] =	vst v1;
	v1 =	vmul.f32 $8.000000000e+00, v5;
	v5 =	vld [tilespmem:s0+$0x50]  }
0x31: {  	[tilespmem:s0+$0xFFFFFFF0] =	vst v0;
	v0 =	vmul.f32 $8.000000000e+00, v6;
	v6 =	vld [tilespmem:s0+$0x60]  }
0x32: {  	[tilespmem:s0+$0x0] =	vst v1;
	v1 =	vmul.f32 $8.000000000e+00, v2;
	v2 =	vld [tilespmem:s0+$0x70]  }
0x33: {  	[tilespmem:s0+$0x10] =	vst v0;
	v0 =	vmul.f32 $8.000000000e+00, v3;
	v3 =	vld [tilespmem:s0+$0x80]  }
0x34: {  	[tilespmem:s0+$0x20] =	vst v1;
	v1 =	vmul.f32 $8.000000000e+00, v4;
	v4 =	vld [tilespmem:s0+$0x90]  }
0x35: {  	v7 =	vld [tilespmem:s0+$0xA0];
	[tilespmem:s0+$0x30] =	vst v0;
	v5 =	vmul.f32 $8.000000000e+00, v5  }
0x36: {  	v0 =	vld [tilespmem:s0+$0xB0];
	[tilespmem:s0+$0x40] =	vst v1;
	v6 =	vmul.f32 $8.000000000e+00, v6  }
0x37: {  	v1 =	vld [tilespmem:s0+$0xC0];
	[tilespmem:s0+$0x50] =	vst v5;
	v5 =	vmul.f32 $8.000000000e+00, v2  }
0x38: {  	v2 =	vld [tilespmem:s0+$0xD0];
	[tilespmem:s0+$0x60] =	vst v6;
	v6 =	vmul.f32 $8.000000000e+00, v3  }
0x39: {  	v3 =	vld [tilespmem:s0+$0xE0];
	[tilespmem:s0+$0x70] =	vst v5;
	v5 =	vmul.f32 $8.000000000e+00, v4  }
0x3a: {  	s1 =	simm.s32 $0x0;
	s17 =	simm.s32 $0x6700;
	v4 =	vld [tilespmem:s0+$0xFFFFFF00];
	[tilespmem:s0+$0x80] =	vst v6;
	v6 =	vmul.f32 $8.000000000e+00, v7  }
.LBB2_2:
0x3b: {  	v7 =	vld [tilespmem:s17+$0xF0];
	s1 =	sadd.s32 $0x8, s1;
	[tilespmem:s0+$0x90] =	vst v5;
	v0 =	vmul.f32 $8.000000000e+00, v0  }
0x3c: {  	v5 =	vld [tilespmem:s17+$0xFFFFFF10];
	p0 =	slt.u32 s1, $0xC0;
	[tilespmem:s0+$0xA0] =	vst v6;
	v1 =	vmul.f32 $8.000000000e+00, v1  }
0x3d: {  	v6 =	vld [tilespmem:s17+$0xFFFFFF20];
	[tilespmem:s0+$0xB0] =	vst v0;
	v0 =	vmul.f32 $8.000000000e+00, v2  }
0x3e: {  	v2 =	vld [tilespmem:s17+$0xFFFFFF30];
	[tilespmem:s0+$0xC0] =	vst v1;
	v1 =	vmul.f32 $8.000000000e+00, v3  }
0x3f: {  	v3 =	vld [tilespmem:s17+$0xFFFFFF40];
	v4 =	vmul.f32 $8.000000000e+00, v4;
	[tilespmem:s0+$0xD0] =	vst v0  }
0x40: {  	v0 =	vld [tilespmem:s17+$0xFFFFFF50];
	v7 =	vmul.f32 $8.000000000e+00, v7;
	[tilespmem:s0+$0xE0] =	vst v1  }
0x41: {  	v1 =	vmul.f32 $8.000000000e+00, v5;
	v5 =	vld [tilespmem:s17+$0xFFFFFF60];
	[tilespmem:s0+$0xFFFFFF00] =	vst v4;
	s0 =	smov.u32 s17  }
0x42: {  	v4 =	vmul.f32 $8.000000000e+00, v6;
	v6 =	vld [tilespmem:s17+$0xFFFFFF70];
	[tilespmem:s17+$0xF0] =	vst v7  }
0x43: {  	[tilespmem:s17+$0xFFFFFF10] =	vst v1;
	v1 =	vmul.f32 $8.000000000e+00, v2;
	v2 =	vld [tilespmem:s17+$0xFFFFFF80]  }
0x44: {  	[tilespmem:s17+$0xFFFFFF20] =	vst v4;
	v3 =	vmul.f32 $8.000000000e+00, v3;
	v4 =	vld [tilespmem:s17+$0xFFFFFF90]  }
0x45: {  	[tilespmem:s17+$0xFFFFFF30] =	vst v1;
	v0 =	vmul.f32 $8.000000000e+00, v0;
	v1 =	vld [tilespmem:s17+$0xFFFFFFA0]  }
0x46: {  	[tilespmem:s17+$0xFFFFFF40] =	vst v3;
	v3 =	vmul.f32 $8.000000000e+00, v5;
	v5 =	vld [tilespmem:s17+$0xFFFFFFB0]  }
0x47: {  	[tilespmem:s17+$0xFFFFFF50] =	vst v0;
	v0 =	vmul.f32 $8.000000000e+00, v6;
	v6 =	vld [tilespmem:s17+$0xFFFFFFC0]  }
0x48: {  	[tilespmem:s17+$0xFFFFFF60] =	vst v3;
	v2 =	vmul.f32 $8.000000000e+00, v2;
	v3 =	vld [tilespmem:s17+$0xFFFFFFD0]  }
0x49: {  	[tilespmem:s17+$0xFFFFFF70] =	vst v0;
	v0 =	vmul.f32 $8.000000000e+00, v4;
	v4 =	vld [tilespmem:s17+$0xFFFFFFE0]  }
0x4a: {  	[tilespmem:s17+$0xFFFFFF80] =	vst v2;
	v1 =	vmul.f32 $8.000000000e+00, v1;
	v2 =	vld [tilespmem:s17+$0xFFFFFFF0]  }
0x4b: {  	[tilespmem:s17+$0xFFFFFF90] =	vst v0;
	v0 =	vmul.f32 $8.000000000e+00, v5;
	v5 =	vld [tilespmem:s17+$0x0]  }
0x4c: {  	[tilespmem:s17+$0xFFFFFFA0] =	vst v1;
	v1 =	vmul.f32 $8.000000000e+00, v6;
	v6 =	vld [tilespmem:s17+$0x10]  }
0x4d: {  	[tilespmem:s17+$0xFFFFFFB0] =	vst v0;
	v0 =	vmul.f32 $8.000000000e+00, v3;
	v3 =	vld [tilespmem:s17+$0x20]  }
0x4e: {  	[tilespmem:s17+$0xFFFFFFC0] =	vst v1;
	v1 =	vmul.f32 $8.000000000e+00, v4;
	v4 =	vld [tilespmem:s17+$0x30]  }
0x4f: {  	[tilespmem:s17+$0xFFFFFFD0] =	vst v0;
	v0 =	vmul.f32 $8.000000000e+00, v2;
	v2 =	vld [tilespmem:s17+$0x40]  }
0x50: {  	[tilespmem:s17+$0xFFFFFFE0] =	vst v1;
	v1 =	vmul.f32 $8.000000000e+00, v5;
	v5 =	vld [tilespmem:s17+$0x50]  }
0x51: {  	[tilespmem:s17+$0xFFFFFFF0] =	vst v0;
	v0 =	vmul.f32 $8.000000000e+00, v6;
	v6 =	vld [tilespmem:s17+$0x60]  }
0x52: {  	[tilespmem:s17+$0x0] =	vst v1;
	v1 =	vmul.f32 $8.000000000e+00, v3;
	v3 =	vld [tilespmem:s17+$0x70]  }
0x53: {  	[tilespmem:s17+$0x10] =	vst v0;
	v0 =	vmul.f32 $8.000000000e+00, v4;
	v4 =	vld [tilespmem:s17+$0x80]  }
0x54: {  	[tilespmem:s17+$0x20] =	vst v1;
	v1 =	vmul.f32 $8.000000000e+00, v2;
	v7 =	vld [tilespmem:s17+$0x90]  }
0x55: {  	[tilespmem:s17+$0x30] =	vst v0;
	v2 =	vmul.f32 $8.000000000e+00, v5;
	v8 =	vld [tilespmem:s17+$0xA0]  }
.Ltmp0:
0x56: {  	[tilespmem:s17+$0x40] =	vst v1;
	v5 =	vmul.f32 $8.000000000e+00, v6;
	v0 =	vld [tilespmem:s17+$0xB0];
	(pc) =	sbr.rel @p0 .LBB2_2-.Ltmp0, $4  }
0x57: {  	[tilespmem:s17+$0x50] =	vst v2;
	v3 =	vmul.f32 $8.000000000e+00, v3;
	v1 =	vld [tilespmem:s17+$0xC0]  }
0x58: {  	[tilespmem:s17+$0x60] =	vst v5;
	v6 =	vmul.f32 $8.000000000e+00, v4;
	v2 =	vld [tilespmem:s17+$0xD0]  }
0x59: {  	[tilespmem:s17+$0x70] =	vst v3;
	v5 =	vmul.f32 $8.000000000e+00, v7;
	v3 =	vld [tilespmem:s17+$0xE0]  }
0x5a: {  	s17 =	sadd.s32 $0x200, s17;
	v4 =	vld [tilespmem:s0+$0xFFFFFF00];
	[tilespmem:s0+$0x80] =	vst v6;
	v6 =	vmul.f32 $8.000000000e+00, v8  }
0x5b: {  	[tilespmem:s0+$0x90] =	vst v5;
	v0 =	vmul.f32 $8.000000000e+00, v0  }
0x5c: {  	[tilespmem:s0+$0xA0] =	vst v6;
	v1 =	vmul.f32 $8.000000000e+00, v1  }
0x5d: {  	[tilespmem:s0+$0xB0] =	vst v0;
	v0 =	vmul.f32 $8.000000000e+00, v2  }
0x5e: {  	[tilespmem:s0+$0xC0] =	vst v1;
	v1 =	vmul.f32 $8.000000000e+00, v3  }
0x5f: {  	v2 =	vmul.f32 $8.000000000e+00, v4;
	[tilespmem:s0+$0xD0] =	vst v0  }
0x60: {  	[tilespmem:s0+$0xE0] =	vst v1  }
0x61: {  	[tilespmem:s0+$0xFFFFFF00] =	vst v2  }
0x62: {  	[hbm4b:s7+s3] =	stream.linear.scatter [tilespmem:s14], [sflag:$0x5], $0x3200, $0x38;
	[tilespmem:$0x12C00] =	vst v63  }
0x63: {  	s31 =	simm.s32 $0x190  }
0x64: {  	[tilespmem:s18], [sflag:$0x3] =	stream.indirect.gather [hbm4b:s5+s13], $0x40, s31, s13, $0xb8;
	[tilespmem:$0x12C00] =	vst v63  }
0x65: {  	_ =	swait.ge [sflag:s19], $0x3200  }
0x66: {  	[sflag:s19] =	ssyncset.done $0x0  }
0x67: {  	s0 =	simm.s32 $0x9700;
	[sflag:s19] =	ssyncadd.s32 $0xFFFFCE00  }
0x68: {  	v0 =	vld [tilespmem:s0+$0xF0]  }
0x69: {  	v1 =	vld [tilespmem:s0+$0xFFFFFF10]  }
0x6a: {  	v2 =	vld [tilespmem:s0+$0xFFFFFF20]  }
0x6b: {  	v3 =	vld [tilespmem:s0+$0xFFFFFF30]  }
0x6c: {  	v4 =	vld [tilespmem:s0+$0xFFFFFF40]  }
0x6d: {  	v5 =	vld [tilespmem:s0+$0xFFFFFF50];
	v0 =	vmul.f32 $8.000000000e+00, v0  }
0x6e: {  	v6 =	vld [tilespmem:s0+$0xFFFFFF60];
	v1 =	vmul.f32 $8.000000000e+00, v1  }
0x6f: {  	v7 =	vld [tilespmem:s0+$0xFFFFFF70];
	v2 =	vmul.f32 $8.000000000e+00, v2;
	[tilespmem:s0+$0xF0] =	vst v0  }
0x70: {  	[tilespmem:s0+$0xFFFFFF10] =	vst v1;
	v0 =	vmul.f32 $8.000000000e+00, v3;
	v1 =	vld [tilespmem:s0+$0xFFFFFF80]  }
0x71: {  	[tilespmem:s0+$0xFFFFFF20] =	vst v2;
	v2 =	vmul.f32 $8.000000000e+00, v4;
	v3 =	vld [tilespmem:s0+$0xFFFFFF90]  }
0x72: {  	v4 =	vld [tilespmem:s0+$0xFFFFFFA0];
	[tilespmem:s0+$0xFFFFFF30] =	vst v0;
	v0 =	vmul.f32 $8.000000000e+00, v5  }
0x73: {  	[tilespmem:s0+$0xFFFFFF40] =	vst v2;
	v2 =	vmul.f32 $8.000000000e+00, v6;
	v5 =	vld [tilespmem:s0+$0xFFFFFFB0]  }
0x74: {  	v6 =	vld [tilespmem:s0+$0xFFFFFFC0];
	[tilespmem:s0+$0xFFFFFF50] =	vst v0;
	v0 =	vmul.f32 $8.000000000e+00, v7  }
0x75: {  	[tilespmem:s0+$0xFFFFFF60] =	vst v2;
	v2 =	vld [tilespmem:s0+$0xFFFFFFD0];
	v1 =	vmul.f32 $8.000000000e+00, v1  }
0x76: {  	[tilespmem:s0+$0xFFFFFF70] =	vst v0;
	v0 =	vmul.f32 $8.000000000e+00, v3;
	v3 =	vld [tilespmem:s0+$0xFFFFFFE0]  }
0x77: {  	[tilespmem:s0+$0xFFFFFF80] =	vst v1;
	v1 =	vmul.f32 $8.000000000e+00, v4;
	v4 =	vld [tilespmem:s0+$0xFFFFFFF0]  }
0x78: {  	[tilespmem:s0+$0xFFFFFF90] =	vst v0;
	v0 =	vmul.f32 $8.000000000e+00, v5;
	v5 =	vld [tilespmem:s0+$0x0]  }
0x79: {  	[tilespmem:s0+$0xFFFFFFA0] =	vst v1;
	v1 =	vmul.f32 $8.000000000e+00, v6;
	v6 =	vld [tilespmem:s0+$0x10]  }
0x7a: {  	[tilespmem:s0+$0xFFFFFFB0] =	vst v0;
	v0 =	vmul.f32 $8.000000000e+00, v2;
	v2 =	vld [tilespmem:s0+$0x20]  }
0x7b: {  	[tilespmem:s0+$0xFFFFFFC0] =	vst v1;
	v1 =	vmul.f32 $8.000000000e+00, v3;
	v3 =	vld [tilespmem:s0+$0x30]  }
0x7c: {  	[tilespmem:s0+$0xFFFFFFD0] =	vst v0;
	v0 =	vmul.f32 $8.000000000e+00, v4;
	v4 =	vld [tilespmem:s0+$0x40]  }
0x7d: {  	[tilespmem:s0+$0xFFFFFFE0] =	vst v1;
	v1 =	vmul.f32 $8.000000000e+00, v5;
	v5 =	vld [tilespmem:s0+$0x50]  }
0x7e: {  	[tilespmem:s0+$0xFFFFFFF0] =	vst v0;
	v0 =	vmul.f32 $8.000000000e+00, v6;
	v6 =	vld [tilespmem:s0+$0x60]  }
0x7f: {  	[tilespmem:s0+$0x0] =	vst v1;
	v1 =	vmul.f32 $8.000000000e+00, v2;
	v2 =	vld [tilespmem:s0+$0x70]  }
0x80: {  	[tilespmem:s0+$0x10] =	vst v0;
	v0 =	vmul.f32 $8.000000000e+00, v3;
	v3 =	vld [tilespmem:s0+$0x80]  }
0x81: {  	[tilespmem:s0+$0x20] =	vst v1;
	v1 =	vmul.f32 $8.000000000e+00, v4;
	v4 =	vld [tilespmem:s0+$0x90]  }
0x82: {  	v7 =	vld [tilespmem:s0+$0xA0];
	[tilespmem:s0+$0x30] =	vst v0;
	v5 =	vmul.f32 $8.000000000e+00, v5  }
0x83: {  	v0 =	vld [tilespmem:s0+$0xB0];
	[tilespmem:s0+$0x40] =	vst v1;
	v6 =	vmul.f32 $8.000000000e+00, v6  }
0x84: {  	v1 =	vld [tilespmem:s0+$0xC0];
	[tilespmem:s0+$0x50] =	vst v5;
	v5 =	vmul.f32 $8.000000000e+00, v2  }
0x85: {  	v2 =	vld [tilespmem:s0+$0xD0];
	[tilespmem:s0+$0x60] =	vst v6;
	v6 =	vmul.f32 $8.000000000e+00, v3  }
0x86: {  	v3 =	vld [tilespmem:s0+$0xE0];
	[tilespmem:s0+$0x70] =	vst v5;
	v5 =	vmul.f32 $8.000000000e+00, v4  }
0x87: {  	s1 =	simm.s32 $0x0;
	s17 =	simm.s32 $0x9900;
	v4 =	vld [tilespmem:s0+$0xFFFFFF00];
	[tilespmem:s0+$0x80] =	vst v6;
	v6 =	vmul.f32 $8.000000000e+00, v7  }
.LBB2_4:
0x88: {  	v7 =	vld [tilespmem:s17+$0xF0];
	s1 =	sadd.s32 $0x8, s1;
	[tilespmem:s0+$0x90] =	vst v5;
	v0 =	vmul.f32 $8.000000000e+00, v0  }
0x89: {  	v5 =	vld [tilespmem:s17+$0xFFFFFF10];
	p0 =	slt.u32 s1, $0xC0;
	[tilespmem:s0+$0xA0] =	vst v6;
	v1 =	vmul.f32 $8.000000000e+00, v1  }
0x8a: {  	v6 =	vld [tilespmem:s17+$0xFFFFFF20];
	[tilespmem:s0+$0xB0] =	vst v0;
	v0 =	vmul.f32 $8.000000000e+00, v2  }
0x8b: {  	v2 =	vld [tilespmem:s17+$0xFFFFFF30];
	[tilespmem:s0+$0xC0] =	vst v1;
	v1 =	vmul.f32 $8.000000000e+00, v3  }
0x8c: {  	v3 =	vld [tilespmem:s17+$0xFFFFFF40];
	v4 =	vmul.f32 $8.000000000e+00, v4;
	[tilespmem:s0+$0xD0] =	vst v0  }
0x8d: {  	v0 =	vld [tilespmem:s17+$0xFFFFFF50];
	v7 =	vmul.f32 $8.000000000e+00, v7;
	[tilespmem:s0+$0xE0] =	vst v1  }
0x8e: {  	v1 =	vmul.f32 $8.000000000e+00, v5;
	v5 =	vld [tilespmem:s17+$0xFFFFFF60];
	[tilespmem:s0+$0xFFFFFF00] =	vst v4;
	s0 =	smov.u32 s17  }
0x8f: {  	v4 =	vmul.f32 $8.000000000e+00, v6;
	v6 =	vld [tilespmem:s17+$0xFFFFFF70];
	[tilespmem:s17+$0xF0] =	vst v7  }
0x90: {  	[tilespmem:s17+$0xFFFFFF10] =	vst v1;
	v1 =	vmul.f32 $8.000000000e+00, v2;
	v2 =	vld [tilespmem:s17+$0xFFFFFF80]  }
0x91: {  	[tilespmem:s17+$0xFFFFFF20] =	vst v4;
	v3 =	vmul.f32 $8.000000000e+00, v3;
	v4 =	vld [tilespmem:s17+$0xFFFFFF90]  }
0x92: {  	[tilespmem:s17+$0xFFFFFF30] =	vst v1;
	v0 =	vmul.f32 $8.000000000e+00, v0;
	v1 =	vld [tilespmem:s17+$0xFFFFFFA0]  }
0x93: {  	[tilespmem:s17+$0xFFFFFF40] =	vst v3;
	v3 =	vmul.f32 $8.000000000e+00, v5;
	v5 =	vld [tilespmem:s17+$0xFFFFFFB0]  }
0x94: {  	[tilespmem:s17+$0xFFFFFF50] =	vst v0;
	v0 =	vmul.f32 $8.000000000e+00, v6;
	v6 =	vld [tilespmem:s17+$0xFFFFFFC0]  }
0x95: {  	[tilespmem:s17+$0xFFFFFF60] =	vst v3;
	v2 =	vmul.f32 $8.000000000e+00, v2;
	v3 =	vld [tilespmem:s17+$0xFFFFFFD0]  }
0x96: {  	[tilespmem:s17+$0xFFFFFF70] =	vst v0;
	v0 =	vmul.f32 $8.000000000e+00, v4;
	v4 =	vld [tilespmem:s17+$0xFFFFFFE0]  }
0x97: {  	[tilespmem:s17+$0xFFFFFF80] =	vst v2;
	v1 =	vmul.f32 $8.000000000e+00, v1;
	v2 =	vld [tilespmem:s17+$0xFFFFFFF0]  }
0x98: {  	[tilespmem:s17+$0xFFFFFF90] =	vst v0;
	v0 =	vmul.f32 $8.000000000e+00, v5;
	v5 =	vld [tilespmem:s17+$0x0]  }
0x99: {  	[tilespmem:s17+$0xFFFFFFA0] =	vst v1;
	v1 =	vmul.f32 $8.000000000e+00, v6;
	v6 =	vld [tilespmem:s17+$0x10]  }
0x9a: {  	[tilespmem:s17+$0xFFFFFFB0] =	vst v0;
	v0 =	vmul.f32 $8.000000000e+00, v3;
	v3 =	vld [tilespmem:s17+$0x20]  }
0x9b: {  	[tilespmem:s17+$0xFFFFFFC0] =	vst v1;
	v1 =	vmul.f32 $8.000000000e+00, v4;
	v4 =	vld [tilespmem:s17+$0x30]  }
0x9c: {  	[tilespmem:s17+$0xFFFFFFD0] =	vst v0;
	v0 =	vmul.f32 $8.000000000e+00, v2;
	v2 =	vld [tilespmem:s17+$0x40]  }
0x9d: {  	[tilespmem:s17+$0xFFFFFFE0] =	vst v1;
	v1 =	vmul.f32 $8.000000000e+00, v5;
	v5 =	vld [tilespmem:s17+$0x50]  }
0x9e: {  	[tilespmem:s17+$0xFFFFFFF0] =	vst v0;
	v0 =	vmul.f32 $8.000000000e+00, v6;
	v6 =	vld [tilespmem:s17+$0x60]  }
0x9f: {  	[tilespmem:s17+$0x0] =	vst v1;
	v1 =	vmul.f32 $8.000000000e+00, v3;
	v3 =	vld [tilespmem:s17+$0x70]  }
0xa0: {  	[tilespmem:s17+$0x10] =	vst v0;
	v0 =	vmul.f32 $8.000000000e+00, v4;
	v4 =	vld [tilespmem:s17+$0x80]  }
0xa1: {  	[tilespmem:s17+$0x20] =	vst v1;
	v1 =	vmul.f32 $8.000000000e+00, v2;
	v7 =	vld [tilespmem:s17+$0x90]  }
0xa2: {  	[tilespmem:s17+$0x30] =	vst v0;
	v2 =	vmul.f32 $8.000000000e+00, v5;
	v8 =	vld [tilespmem:s17+$0xA0]  }
.Ltmp1:
0xa3: {  	[tilespmem:s17+$0x40] =	vst v1;
	v5 =	vmul.f32 $8.000000000e+00, v6;
	v0 =	vld [tilespmem:s17+$0xB0];
	(pc) =	sbr.rel @p0 .LBB2_4-.Ltmp1, $4  }
0xa4: {  	[tilespmem:s17+$0x50] =	vst v2;
	v3 =	vmul.f32 $8.000000000e+00, v3;
	v1 =	vld [tilespmem:s17+$0xC0]  }
0xa5: {  	[tilespmem:s17+$0x60] =	vst v5;
	v6 =	vmul.f32 $8.000000000e+00, v4;
	v2 =	vld [tilespmem:s17+$0xD0]  }
0xa6: {  	[tilespmem:s17+$0x70] =	vst v3;
	v5 =	vmul.f32 $8.000000000e+00, v7;
	v3 =	vld [tilespmem:s17+$0xE0]  }
0xa7: {  	s17 =	sadd.s32 $0x200, s17;
	v4 =	vld [tilespmem:s0+$0xFFFFFF00];
	[tilespmem:s0+$0x80] =	vst v6;
	v6 =	vmul.f32 $8.000000000e+00, v8  }
0xa8: {  	[tilespmem:s0+$0x90] =	vst v5;
	v0 =	vmul.f32 $8.000000000e+00, v0  }
0xa9: {  	[tilespmem:s0+$0xA0] =	vst v6;
	v1 =	vmul.f32 $8.000000000e+00, v1  }
0xaa: {  	[tilespmem:s0+$0xB0] =	vst v0;
	v61 =	vmul.f32 $8.000000000e+00, v2  }
0xab: {  	[tilespmem:s0+$0xC0] =	vst v1;
	v62 =	vmul.f32 $8.000000000e+00, v3  }
0xac: {  	v63 =	vmul.f32 $8.000000000e+00, v4;
	[tilespmem:s0+$0xD0] =	vst v61  }
0xad: {  	[tilespmem:s0+$0xE0] =	vst v62  }
0xae: {  	s30 =	simm.s32 $0x0;
	[tilespmem:s0+$0xFFFFFF00] =	vst v63  }
0xaf: {  	[hbm4b:s8+s30] =	stream.linear.scatter [tilespmem:s15], [sflag:$0x6], $0x3200, $0x38;
	[tilespmem:$0x12C00] =	vst v63  }
0xb0: {  	s31 =	simm.s32 $0x258  }
0xb1: {  	[tilespmem:s21], [sflag:$0x4] =	stream.indirect.gather [hbm4b:s5+s13], $0x40, s31, s13, $0xb8;
	[tilespmem:$0x12C00] =	vst v63  }
.LBB2_6:
0xb2: {  	_ =	swait.ge [sflag:s22], $0x3200  }
0xb3: {  	[sflag:s22] =	ssyncset.done $0x0  }
0xb4: {  	s1 =	simm.s32 $0xC900;
	[sflag:s22] =	ssyncadd.s32 $0xFFFFCE00  }
0xb5: {  	v0 =	vld [tilespmem:s1+$0xF0]  }
0xb6: {  	v1 =	vld [tilespmem:s1+$0xFFFFFF10]  }
0xb7: {  	v2 =	vld [tilespmem:s1+$0xFFFFFF20]  }
0xb8: {  	v3 =	vld [tilespmem:s1+$0xFFFFFF30]  }
0xb9: {  	v4 =	vld [tilespmem:s1+$0xFFFFFF40]  }
0xba: {  	v5 =	vld [tilespmem:s1+$0xFFFFFF50];
	v0 =	vmul.f32 $8.000000000e+00, v0  }
0xbb: {  	v6 =	vld [tilespmem:s1+$0xFFFFFF60];
	v1 =	vmul.f32 $8.000000000e+00, v1  }
0xbc: {  	v7 =	vld [tilespmem:s1+$0xFFFFFF70];
	v2 =	vmul.f32 $8.000000000e+00, v2;
	[tilespmem:s1+$0xF0] =	vst v0  }
0xbd: {  	[tilespmem:s1+$0xFFFFFF10] =	vst v1;
	v0 =	vmul.f32 $8.000000000e+00, v3;
	v1 =	vld [tilespmem:s1+$0xFFFFFF80]  }
0xbe: {  	[tilespmem:s1+$0xFFFFFF20] =	vst v2;
	v2 =	vmul.f32 $8.000000000e+00, v4;
	v3 =	vld [tilespmem:s1+$0xFFFFFF90]  }
0xbf: {  	v4 =	vld [tilespmem:s1+$0xFFFFFFA0];
	[tilespmem:s1+$0xFFFFFF30] =	vst v0;
	v0 =	vmul.f32 $8.000000000e+00, v5  }
0xc0: {  	[tilespmem:s1+$0xFFFFFF40] =	vst v2;
	v2 =	vmul.f32 $8.000000000e+00, v6;
	v5 =	vld [tilespmem:s1+$0xFFFFFFB0]  }
0xc1: {  	v6 =	vld [tilespmem:s1+$0xFFFFFFC0];
	[tilespmem:s1+$0xFFFFFF50] =	vst v0;
	v0 =	vmul.f32 $8.000000000e+00, v7  }
0xc2: {  	[tilespmem:s1+$0xFFFFFF60] =	vst v2;
	v2 =	vld [tilespmem:s1+$0xFFFFFFD0];
	v1 =	vmul.f32 $8.000000000e+00, v1  }
0xc3: {  	[tilespmem:s1+$0xFFFFFF70] =	vst v0;
	v0 =	vmul.f32 $8.000000000e+00, v3;
	v3 =	vld [tilespmem:s1+$0xFFFFFFE0]  }
0xc4: {  	[tilespmem:s1+$0xFFFFFF80] =	vst v1;
	v1 =	vmul.f32 $8.000000000e+00, v4;
	v4 =	vld [tilespmem:s1+$0xFFFFFFF0]  }
0xc5: {  	[tilespmem:s1+$0xFFFFFF90] =	vst v0;
	v0 =	vmul.f32 $8.000000000e+00, v5;
	v5 =	vld [tilespmem:s1+$0x0]  }
0xc6: {  	[tilespmem:s1+$0xFFFFFFA0] =	vst v1;
	v1 =	vmul.f32 $8.000000000e+00, v6;
	v6 =	vld [tilespmem:s1+$0x10]  }
0xc7: {  	[tilespmem:s1+$0xFFFFFFB0] =	vst v0;
	v0 =	vmul.f32 $8.000000000e+00, v2;
	v2 =	vld [tilespmem:s1+$0x20]  }
0xc8: {  	[tilespmem:s1+$0xFFFFFFC0] =	vst v1;
	v1 =	vmul.f32 $8.000000000e+00, v3;
	v3 =	vld [tilespmem:s1+$0x30]  }
0xc9: {  	[tilespmem:s1+$0xFFFFFFD0] =	vst v0;
	v0 =	vmul.f32 $8.000000000e+00, v4;
	v4 =	vld [tilespmem:s1+$0x40]  }
0xca: {  	[tilespmem:s1+$0xFFFFFFE0] =	vst v1;
	v1 =	vmul.f32 $8.000000000e+00, v5;
	v5 =	vld [tilespmem:s1+$0x50]  }
0xcb: {  	[tilespmem:s1+$0xFFFFFFF0] =	vst v0;
	v0 =	vmul.f32 $8.000000000e+00, v6;
	v6 =	vld [tilespmem:s1+$0x60]  }
0xcc: {  	v7 =	vld [tilespmem:s1+$0x70];
	[tilespmem:s1+$0x0] =	vst v1;
	v1 =	vmul.f32 $8.000000000e+00, v2  }
0xcd: {  	v8 =	vld [tilespmem:s1+$0x80];
	[tilespmem:s1+$0x10] =	vst v0;
	v0 =	vmul.f32 $8.000000000e+00, v3  }
0xce: {  	v9 =	vld [tilespmem:s1+$0x90];
	[tilespmem:s1+$0x20] =	vst v1;
	v1 =	vmul.f32 $8.000000000e+00, v4  }
0xcf: {  	v10 =	vld [tilespmem:s1+$0xA0];
	[tilespmem:s1+$0x30] =	vst v0;
	v0 =	vmul.f32 $8.000000000e+00, v5  }
0xd0: {  	v2 =	vld [tilespmem:s1+$0xB0];
	[tilespmem:s1+$0x40] =	vst v1;
	v1 =	vmul.f32 $8.000000000e+00, v6  }
0xd1: {  	v3 =	vld [tilespmem:s1+$0xC0];
	[tilespmem:s1+$0x50] =	vst v0;
	v0 =	vmul.f32 $8.000000000e+00, v7  }
0xd2: {  	v4 =	vld [tilespmem:s1+$0xD0];
	v6 =	vmul.f32 $8.000000000e+00, v8;
	[tilespmem:s1+$0x60] =	vst v1  }
0xd3: {  	v5 =	vmul.f32 $8.000000000e+00, v9;
	[tilespmem:s1+$0x70] =	vst v0;
	v0 =	vld [tilespmem:s1+$0xE0]  }
0xd4: {  	s0 =	simm.s32 $0x0;
	s17 =	simm.s32 $0xCB00;
	v1 =	vld [tilespmem:s1+$0xFFFFFF00];
	[tilespmem:s1+$0x80] =	vst v6;
	v6 =	vmul.f32 $8.000000000e+00, v10  }
.LBB2_7:
0xd5: {  	v7 =	vld [tilespmem:s17+$0xF0];
	s0 =	sadd.s32 $0x8, s0;
	[tilespmem:s1+$0x90] =	vst v5;
	v2 =	vmul.f32 $8.000000000e+00, v2  }
0xd6: {  	v5 =	vld [tilespmem:s17+$0xFFFFFF10];
	p0 =	slt.u32 s0, $0xC0;
	[tilespmem:s1+$0xA0] =	vst v6;
	v3 =	vmul.f32 $8.000000000e+00, v3  }
0xd7: {  	v6 =	vld [tilespmem:s17+$0xFFFFFF20];
	[tilespmem:s1+$0xB0] =	vst v2;
	v2 =	vmul.f32 $8.000000000e+00, v4  }
0xd8: {  	v4 =	vld [tilespmem:s17+$0xFFFFFF30];
	[tilespmem:s1+$0xC0] =	vst v3;
	v0 =	vmul.f32 $8.000000000e+00, v0  }
0xd9: {  	v3 =	vld [tilespmem:s17+$0xFFFFFF40];
	v1 =	vmul.f32 $8.000000000e+00, v1;
	[tilespmem:s1+$0xD0] =	vst v2  }
0xda: {  	v2 =	vld [tilespmem:s17+$0xFFFFFF50];
	v7 =	vmul.f32 $8.000000000e+00, v7;
	[tilespmem:s1+$0xE0] =	vst v0  }
0xdb: {  	v0 =	vmul.f32 $8.000000000e+00, v5;
	v5 =	vld [tilespmem:s17+$0xFFFFFF60];
	[tilespmem:s1+$0xFFFFFF00] =	vst v1;
	s1 =	smov.u32 s17  }
0xdc: {  	v1 =	vmul.f32 $8.000000000e+00, v6;
	v6 =	vld [tilespmem:s17+$0xFFFFFF70];
	[tilespmem:s17+$0xF0] =	vst v7  }
0xdd: {  	[tilespmem:s17+$0xFFFFFF10] =	vst v0;
	v0 =	vmul.f32 $8.000000000e+00, v4;
	v4 =	vld [tilespmem:s17+$0xFFFFFF80]  }
0xde: {  	[tilespmem:s17+$0xFFFFFF20] =	vst v1;
	v1 =	vmul.f32 $8.000000000e+00, v3;
	v3 =	vld [tilespmem:s17+$0xFFFFFF90]  }
0xdf: {  	[tilespmem:s17+$0xFFFFFF30] =	vst v0;
	v0 =	vmul.f32 $8.000000000e+00, v2;
	v2 =	vld [tilespmem:s17+$0xFFFFFFA0]  }
0xe0: {  	[tilespmem:s17+$0xFFFFFF40] =	vst v1;
	v1 =	vmul.f32 $8.000000000e+00, v5;
	v5 =	vld [tilespmem:s17+$0xFFFFFFB0]  }
0xe1: {  	[tilespmem:s17+$0xFFFFFF50] =	vst v0;
	v0 =	vmul.f32 $8.000000000e+00, v6;
	v6 =	vld [tilespmem:s17+$0xFFFFFFC0]  }
0xe2: {  	[tilespmem:s17+$0xFFFFFF60] =	vst v1;
	v1 =	vmul.f32 $8.000000000e+00, v4;
	v4 =	vld [tilespmem:s17+$0xFFFFFFD0]  }
0xe3: {  	[tilespmem:s17+$0xFFFFFF70] =	vst v0;
	v0 =	vmul.f32 $8.000000000e+00, v3;
	v3 =	vld [tilespmem:s17+$0xFFFFFFE0]  }
0xe4: {  	[tilespmem:s17+$0xFFFFFF80] =	vst v1;
	v1 =	vmul.f32 $8.000000000e+00, v2;
	v2 =	vld [tilespmem:s17+$0xFFFFFFF0]  }
0xe5: {  	[tilespmem:s17+$0xFFFFFF90] =	vst v0;
	v0 =	vmul.f32 $8.000000000e+00, v5;
	v5 =	vld [tilespmem:s17+$0x0]  }
0xe6: {  	[tilespmem:s17+$0xFFFFFFA0] =	vst v1;
	v1 =	vmul.f32 $8.000000000e+00, v6;
	v6 =	vld [tilespmem:s17+$0x10]  }
0xe7: {  	[tilespmem:s17+$0xFFFFFFB0] =	vst v0;
	v0 =	vmul.f32 $8.000000000e+00, v4;
	v4 =	vld [tilespmem:s17+$0x20]  }
0xe8: {  	[tilespmem:s17+$0xFFFFFFC0] =	vst v1;
	v1 =	vmul.f32 $8.000000000e+00, v3;
	v3 =	vld [tilespmem:s17+$0x30]  }
0xe9: {  	[tilespmem:s17+$0xFFFFFFD0] =	vst v0;
	v0 =	vmul.f32 $8.000000000e+00, v2;
	v2 =	vld [tilespmem:s17+$0x40]  }
0xea: {  	[tilespmem:s17+$0xFFFFFFE0] =	vst v1;
	v1 =	vmul.f32 $8.000000000e+00, v5;
	v5 =	vld [tilespmem:s17+$0x50]  }
0xeb: {  	[tilespmem:s17+$0xFFFFFFF0] =	vst v0;
	v0 =	vmul.f32 $8.000000000e+00, v6;
	v6 =	vld [tilespmem:s17+$0x60]  }
0xec: {  	[tilespmem:s17+$0x0] =	vst v1;
	v1 =	vmul.f32 $8.000000000e+00, v4;
	v4 =	vld [tilespmem:s17+$0x70]  }
0xed: {  	[tilespmem:s17+$0x10] =	vst v0;
	v0 =	vmul.f32 $8.000000000e+00, v3;
	v7 =	vld [tilespmem:s17+$0x80]  }
0xee: {  	[tilespmem:s17+$0x20] =	vst v1;
	v1 =	vmul.f32 $8.000000000e+00, v2;
	v8 =	vld [tilespmem:s17+$0x90]  }
0xef: {  	[tilespmem:s17+$0x30] =	vst v0;
	v0 =	vmul.f32 $8.000000000e+00, v5;
	v9 =	vld [tilespmem:s17+$0xA0]  }
.Ltmp2:
0xf0: {  	[tilespmem:s17+$0x40] =	vst v1;
	v1 =	vmul.f32 $8.000000000e+00, v6;
	v2 =	vld [tilespmem:s17+$0xB0];
	(pc) =	sbr.rel @p0 .LBB2_7-.Ltmp2, $4  }
0xf1: {  	[tilespmem:s17+$0x50] =	vst v0;
	v0 =	vmul.f32 $8.000000000e+00, v4;
	v3 =	vld [tilespmem:s17+$0xC0]  }
0xf2: {  	[tilespmem:s17+$0x60] =	vst v1;
	v6 =	vmul.f32 $8.000000000e+00, v7;
	v4 =	vld [tilespmem:s17+$0xD0]  }
0xf3: {  	[tilespmem:s17+$0x70] =	vst v0;
	v5 =	vmul.f32 $8.000000000e+00, v8;
	v0 =	vld [tilespmem:s17+$0xE0]  }
0xf4: {  	s17 =	sadd.s32 $0x200, s17;
	v1 =	vld [tilespmem:s1+$0xFFFFFF00];
	[tilespmem:s1+$0x80] =	vst v6;
	v6 =	vmul.f32 $8.000000000e+00, v9  }
0xf5: {  	[tilespmem:s1+$0x90] =	vst v5;
	v2 =	vmul.f32 $8.000000000e+00, v2  }
0xf6: {  	s31 =	sshll.u32 s30, $0x2;
	[tilespmem:s1+$0xA0] =	vst v6;
	v3 =	vmul.f32 $8.000000000e+00, v3  }
0xf7: {  	s0 =	sadd.s32 s31, s4;
	[tilespmem:s1+$0xB0] =	vst v2;
	v2 =	vmul.f32 $8.000000000e+00, v4  }
0xf8: {  	s0 =	smul.u32 $0x640, s0;
	[tilespmem:s1+$0xC0] =	vst v3;
	v0 =	vmul.f32 $8.000000000e+00, v0  }
0xf9: {  	v1 =	vmul.f32 $8.000000000e+00, v1;
	[tilespmem:s1+$0xD0] =	vst v2  }
0xfa: {  	s0 =	sadd.s32 s2, s0;
	[tilespmem:s1+$0xE0] =	vst v0  }
0xfb: {  	s20 =	sadd.s32 $0xC80, s0;
	[tilespmem:s1+$0xFFFFFF00] =	vst v1;
	s1 =	sadd.s32 $0x4, s31  }
0xfc: {  	[hbm4b:s20+s3] =	stream.linear.scatter [tilespmem:s18], [sflag:$0x7], $0x3200, $0x38;
	[tilespmem:$0x12C00] =	vst v63  }
0xfd: {  	s6 =	smul.u32 $0x320, s1;
	_ =	swait.ge [sflag:s23], $0x3200  }
0xfe: {  	[sflag:s23] =	ssyncset.done $0x0  }
0xff: {  	s6 =	sshra.s32 s6, $0x2;
	[sflag:s23] =	ssyncadd.s32 $0xFFFFCE00  }
0x100: {  	[tilespmem:s14], [sflag:$0x1] =	stream.indirect.gather [hbm4b:s5+s13], $0x40, s6, s13, $0xb8;
	[tilespmem:$0x12C00] =	vst v63  }
0x101: {  	_ =	swait.ge [sflag:s24], $0x3200  }
0x102: {  	[sflag:s24] =	ssyncset.done $0x0  }
0x103: {  	s17 =	simm.s32 $0xFB00;
	[sflag:s24] =	ssyncadd.s32 $0xFFFFCE00  }
0x104: {  	v0 =	vld [tilespmem:s17+$0xF0]  }
0x105: {  	v1 =	vld [tilespmem:s17+$0xFFFFFF10]  }
0x106: {  	v2 =	vld [tilespmem:s17+$0xFFFFFF20]  }
0x107: {  	v3 =	vld [tilespmem:s17+$0xFFFFFF30]  }
0x108: {  	v4 =	vld [tilespmem:s17+$0xFFFFFF40]  }
0x109: {  	v5 =	vld [tilespmem:s17+$0xFFFFFF50];
	v0 =	vmul.f32 $8.000000000e+00, v0  }
0x10a: {  	v6 =	vld [tilespmem:s17+$0xFFFFFF60];
	v1 =	vmul.f32 $8.000000000e+00, v1  }
0x10b: {  	v7 =	vld [tilespmem:s17+$0xFFFFFF70];
	v2 =	vmul.f32 $8.000000000e+00, v2;
	[tilespmem:s17+$0xF0] =	vst v0  }
0x10c: {  	[tilespmem:s17+$0xFFFFFF10] =	vst v1;
	v0 =	vmul.f32 $8.000000000e+00, v3;
	v1 =	vld [tilespmem:s17+$0xFFFFFF80]  }
0x10d: {  	[tilespmem:s17+$0xFFFFFF20] =	vst v2;
	v2 =	vmul.f32 $8.000000000e+00, v4;
	v3 =	vld [tilespmem:s17+$0xFFFFFF90]  }
0x10e: {  	v4 =	vld [tilespmem:s17+$0xFFFFFFA0];
	[tilespmem:s17+$0xFFFFFF30] =	vst v0;
	v0 =	vmul.f32 $8.000000000e+00, v5  }
0x10f: {  	[tilespmem:s17+$0xFFFFFF40] =	vst v2;
	v2 =	vmul.f32 $8.000000000e+00, v6;
	v5 =	vld [tilespmem:s17+$0xFFFFFFB0]  }
0x110: {  	v6 =	vld [tilespmem:s17+$0xFFFFFFC0];
	[tilespmem:s17+$0xFFFFFF50] =	vst v0;
	v0 =	vmul.f32 $8.000000000e+00, v7  }
0x111: {  	[tilespmem:s17+$0xFFFFFF60] =	vst v2;
	v2 =	vld [tilespmem:s17+$0xFFFFFFD0];
	v1 =	vmul.f32 $8.000000000e+00, v1  }
0x112: {  	[tilespmem:s17+$0xFFFFFF70] =	vst v0;
	v0 =	vmul.f32 $8.000000000e+00, v3;
	v3 =	vld [tilespmem:s17+$0xFFFFFFE0]  }
0x113: {  	[tilespmem:s17+$0xFFFFFF80] =	vst v1;
	v1 =	vmul.f32 $8.000000000e+00, v4;
	v4 =	vld [tilespmem:s17+$0xFFFFFFF0]  }
0x114: {  	[tilespmem:s17+$0xFFFFFF90] =	vst v0;
	v0 =	vmul.f32 $8.000000000e+00, v5;
	v5 =	vld [tilespmem:s17+$0x0]  }
0x115: {  	[tilespmem:s17+$0xFFFFFFA0] =	vst v1;
	v1 =	vmul.f32 $8.000000000e+00, v6;
	v6 =	vld [tilespmem:s17+$0x10]  }
0x116: {  	[tilespmem:s17+$0xFFFFFFB0] =	vst v0;
	v0 =	vmul.f32 $8.000000000e+00, v2;
	v2 =	vld [tilespmem:s17+$0x20]  }
0x117: {  	[tilespmem:s17+$0xFFFFFFC0] =	vst v1;
	v1 =	vmul.f32 $8.000000000e+00, v3;
	v3 =	vld [tilespmem:s17+$0x30]  }
0x118: {  	[tilespmem:s17+$0xFFFFFFD0] =	vst v0;
	v0 =	vmul.f32 $8.000000000e+00, v4;
	v4 =	vld [tilespmem:s17+$0x40]  }
0x119: {  	[tilespmem:s17+$0xFFFFFFE0] =	vst v1;
	v1 =	vmul.f32 $8.000000000e+00, v5;
	v5 =	vld [tilespmem:s17+$0x50]  }
0x11a: {  	[tilespmem:s17+$0xFFFFFFF0] =	vst v0;
	v0 =	vmul.f32 $8.000000000e+00, v6;
	v6 =	vld [tilespmem:s17+$0x60]  }
0x11b: {  	[tilespmem:s17+$0x0] =	vst v1;
	v1 =	vmul.f32 $8.000000000e+00, v2;
	v2 =	vld [tilespmem:s17+$0x70]  }
0x11c: {  	[tilespmem:s17+$0x10] =	vst v0;
	v0 =	vmul.f32 $8.000000000e+00, v3;
	v3 =	vld [tilespmem:s17+$0x80]  }
0x11d: {  	[tilespmem:s17+$0x20] =	vst v1;
	v1 =	vmul.f32 $8.000000000e+00, v4;
	v4 =	vld [tilespmem:s17+$0x90]  }
0x11e: {  	v7 =	vld [tilespmem:s17+$0xA0];
	[tilespmem:s17+$0x30] =	vst v0;
	v5 =	vmul.f32 $8.000000000e+00, v5  }
0x11f: {  	v0 =	vld [tilespmem:s17+$0xB0];
	[tilespmem:s17+$0x40] =	vst v1;
	v6 =	vmul.f32 $8.000000000e+00, v6  }
0x120: {  	v1 =	vld [tilespmem:s17+$0xC0];
	[tilespmem:s17+$0x50] =	vst v5;
	v5 =	vmul.f32 $8.000000000e+00, v2  }
0x121: {  	v2 =	vld [tilespmem:s17+$0xD0];
	[tilespmem:s17+$0x60] =	vst v6;
	v6 =	vmul.f32 $8.000000000e+00, v3  }
0x122: {  	v3 =	vld [tilespmem:s17+$0xE0];
	[tilespmem:s17+$0x70] =	vst v5;
	v5 =	vmul.f32 $8.000000000e+00, v4  }
0x123: {  	s20 =	simm.s32 $0x0;
	s6 =	simm.s32 $0xFD00;
	v4 =	vld [tilespmem:s17+$0xFFFFFF00];
	[tilespmem:s17+$0x80] =	vst v6;
	v6 =	vmul.f32 $8.000000000e+00, v7  }
.LBB2_9:
0x124: {  	v7 =	vld [tilespmem:s6+$0xF0];
	s20 =	sadd.s32 $0x8, s20;
	[tilespmem:s17+$0x90] =	vst v5;
	v0 =	vmul.f32 $8.000000000e+00, v0  }
0x125: {  	v5 =	vld [tilespmem:s6+$0xFFFFFF10];
	p0 =	slt.u32 s20, $0xC0;
	[tilespmem:s17+$0xA0] =	vst v6;
	v1 =	vmul.f32 $8.000000000e+00, v1  }
0x126: {  	v6 =	vld [tilespmem:s6+$0xFFFFFF20];
	[tilespmem:s17+$0xB0] =	vst v0;
	v0 =	vmul.f32 $8.000000000e+00, v2  }
0x127: {  	v2 =	vld [tilespmem:s6+$0xFFFFFF30];
	[tilespmem:s17+$0xC0] =	vst v1;
	v1 =	vmul.f32 $8.000000000e+00, v3  }
0x128: {  	v3 =	vld [tilespmem:s6+$0xFFFFFF40];
	v4 =	vmul.f32 $8.000000000e+00, v4;
	[tilespmem:s17+$0xD0] =	vst v0  }
0x129: {  	v0 =	vld [tilespmem:s6+$0xFFFFFF50];
	v7 =	vmul.f32 $8.000000000e+00, v7;
	[tilespmem:s17+$0xE0] =	vst v1  }
0x12a: {  	v1 =	vmul.f32 $8.000000000e+00, v5;
	v5 =	vld [tilespmem:s6+$0xFFFFFF60];
	[tilespmem:s17+$0xFFFFFF00] =	vst v4;
	s17 =	smov.u32 s6  }
0x12b: {  	v4 =	vmul.f32 $8.000000000e+00, v6;
	v6 =	vld [tilespmem:s6+$0xFFFFFF70];
	[tilespmem:s6+$0xF0] =	vst v7  }
0x12c: {  	[tilespmem:s6+$0xFFFFFF10] =	vst v1;
	v1 =	vmul.f32 $8.000000000e+00, v2;
	v2 =	vld [tilespmem:s6+$0xFFFFFF80]  }
0x12d: {  	[tilespmem:s6+$0xFFFFFF20] =	vst v4;
	v3 =	vmul.f32 $8.000000000e+00, v3;
	v4 =	vld [tilespmem:s6+$0xFFFFFF90]  }
0x12e: {  	[tilespmem:s6+$0xFFFFFF30] =	vst v1;
	v0 =	vmul.f32 $8.000000000e+00, v0;
	v1 =	vld [tilespmem:s6+$0xFFFFFFA0]  }
0x12f: {  	[tilespmem:s6+$0xFFFFFF40] =	vst v3;
	v3 =	vmul.f32 $8.000000000e+00, v5;
	v5 =	vld [tilespmem:s6+$0xFFFFFFB0]  }
0x130: {  	[tilespmem:s6+$0xFFFFFF50] =	vst v0;
	v0 =	vmul.f32 $8.000000000e+00, v6;
	v6 =	vld [tilespmem:s6+$0xFFFFFFC0]  }
0x131: {  	[tilespmem:s6+$0xFFFFFF60] =	vst v3;
	v2 =	vmul.f32 $8.000000000e+00, v2;
	v3 =	vld [tilespmem:s6+$0xFFFFFFD0]  }
0x132: {  	[tilespmem:s6+$0xFFFFFF70] =	vst v0;
	v0 =	vmul.f32 $8.000000000e+00, v4;
	v4 =	vld [tilespmem:s6+$0xFFFFFFE0]  }
0x133: {  	[tilespmem:s6+$0xFFFFFF80] =	vst v2;
	v1 =	vmul.f32 $8.000000000e+00, v1;
	v2 =	vld [tilespmem:s6+$0xFFFFFFF0]  }
0x134: {  	[tilespmem:s6+$0xFFFFFF90] =	vst v0;
	v0 =	vmul.f32 $8.000000000e+00, v5;
	v5 =	vld [tilespmem:s6+$0x0]  }
0x135: {  	[tilespmem:s6+$0xFFFFFFA0] =	vst v1;
	v1 =	vmul.f32 $8.000000000e+00, v6;
	v6 =	vld [tilespmem:s6+$0x10]  }
0x136: {  	[tilespmem:s6+$0xFFFFFFB0] =	vst v0;
	v0 =	vmul.f32 $8.000000000e+00, v3;
	v3 =	vld [tilespmem:s6+$0x20]  }
0x137: {  	[tilespmem:s6+$0xFFFFFFC0] =	vst v1;
	v1 =	vmul.f32 $8.000000000e+00, v4;
	v4 =	vld [tilespmem:s6+$0x30]  }
0x138: {  	[tilespmem:s6+$0xFFFFFFD0] =	vst v0;
	v0 =	vmul.f32 $8.000000000e+00, v2;
	v2 =	vld [tilespmem:s6+$0x40]  }
0x139: {  	[tilespmem:s6+$0xFFFFFFE0] =	vst v1;
	v1 =	vmul.f32 $8.000000000e+00, v5;
	v5 =	vld [tilespmem:s6+$0x50]  }
0x13a: {  	[tilespmem:s6+$0xFFFFFFF0] =	vst v0;
	v0 =	vmul.f32 $8.000000000e+00, v6;
	v6 =	vld [tilespmem:s6+$0x60]  }
0x13b: {  	[tilespmem:s6+$0x0] =	vst v1;
	v1 =	vmul.f32 $8.000000000e+00, v3;
	v3 =	vld [tilespmem:s6+$0x70]  }
0x13c: {  	[tilespmem:s6+$0x10] =	vst v0;
	v0 =	vmul.f32 $8.000000000e+00, v4;
	v4 =	vld [tilespmem:s6+$0x80]  }
0x13d: {  	[tilespmem:s6+$0x20] =	vst v1;
	v1 =	vmul.f32 $8.000000000e+00, v2;
	v7 =	vld [tilespmem:s6+$0x90]  }
0x13e: {  	[tilespmem:s6+$0x30] =	vst v0;
	v2 =	vmul.f32 $8.000000000e+00, v5;
	v8 =	vld [tilespmem:s6+$0xA0]  }
.Ltmp3:
0x13f: {  	[tilespmem:s6+$0x40] =	vst v1;
	v5 =	vmul.f32 $8.000000000e+00, v6;
	v0 =	vld [tilespmem:s6+$0xB0];
	(pc) =	sbr.rel @p0 .LBB2_9-.Ltmp3, $4  }
0x140: {  	[tilespmem:s6+$0x50] =	vst v2;
	v3 =	vmul.f32 $8.000000000e+00, v3;
	v1 =	vld [tilespmem:s6+$0xC0]  }
0x141: {  	[tilespmem:s6+$0x60] =	vst v5;
	v6 =	vmul.f32 $8.000000000e+00, v4;
	v2 =	vld [tilespmem:s6+$0xD0]  }
0x142: {  	[tilespmem:s6+$0x70] =	vst v3;
	v5 =	vmul.f32 $8.000000000e+00, v7;
	v3 =	vld [tilespmem:s6+$0xE0]  }
0x143: {  	s6 =	sadd.s32 $0x200, s6;
	v4 =	vld [tilespmem:s17+$0xFFFFFF00];
	[tilespmem:s17+$0x80] =	vst v6;
	v6 =	vmul.f32 $8.000000000e+00, v8  }
0x144: {  	[tilespmem:s17+$0x90] =	vst v5;
	v0 =	vmul.f32 $8.000000000e+00, v0  }
0x145: {  	[tilespmem:s17+$0xA0] =	vst v6;
	v1 =	vmul.f32 $8.000000000e+00, v1  }
0x146: {  	[tilespmem:s17+$0xB0] =	vst v0;
	v0 =	vmul.f32 $8.000000000e+00, v2  }
0x147: {  	[tilespmem:s17+$0xC0] =	vst v1;
	v1 =	vmul.f32 $8.000000000e+00, v3  }
0x148: {  	v2 =	vmul.f32 $8.000000000e+00, v4;
	[tilespmem:s17+$0xD0] =	vst v0  }
0x149: {  	[tilespmem:s17+$0xE0] =	vst v1  }
0x14a: {  	s0 =	sadd.s32 $0x12C0, s0;
	s31 =	sadd.s32 $0x5, s31;
	[tilespmem:s17+$0xFFFFFF00] =	vst v2  }
0x14b: {  	[hbm4b:s0+s3] =	stream.linear.scatter [tilespmem:s21], [sflag:$0x8], $0x3200, $0x38;
	[tilespmem:$0x12C00] =	vst v63  }
0x14c: {  	s20 =	smul.u32 $0x320, s31;
	_ =	swait.ge [sflag:s25], $0x3200  }
0x14d: {  	[sflag:s25] =	ssyncset.done $0x0  }
0x14e: {  	s0 =	sshra.s32 s20, $0x2;
	[sflag:s25] =	ssyncadd.s32 $0xFFFFCE00  }
0x14f: {  	[tilespmem:s15], [sflag:$0x2] =	stream.indirect.gather [hbm4b:s5+s13], $0x40, s0, s13, $0xb8;
	[tilespmem:$0x12C00] =	vst v63  }
0x150: {  	_ =	swait.ge [sflag:s16], $0x3200  }
0x151: {  	[sflag:s16] =	ssyncset.done $0x0  }
0x152: {  	s0 =	simm.s32 $0x6500;
	[sflag:s16] =	ssyncadd.s32 $0xFFFFCE00  }
0x153: {  	v0 =	vld [tilespmem:s0+$0xF0]  }
0x154: {  	v1 =	vld [tilespmem:s0+$0xFFFFFF10]  }
0x155: {  	v2 =	vld [tilespmem:s0+$0xFFFFFF20]  }
0x156: {  	v3 =	vld [tilespmem:s0+$0xFFFFFF30]  }
0x157: {  	v4 =	vld [tilespmem:s0+$0xFFFFFF40]  }
0x158: {  	v5 =	vld [tilespmem:s0+$0xFFFFFF50];
	v0 =	vmul.f32 $8.000000000e+00, v0  }
0x159: {  	v6 =	vld [tilespmem:s0+$0xFFFFFF60];
	v1 =	vmul.f32 $8.000000000e+00, v1  }
0x15a: {  	v7 =	vld [tilespmem:s0+$0xFFFFFF70];
	v2 =	vmul.f32 $8.000000000e+00, v2;
	[tilespmem:s0+$0xF0] =	vst v0  }
0x15b: {  	[tilespmem:s0+$0xFFFFFF10] =	vst v1;
	v0 =	vmul.f32 $8.000000000e+00, v3;
	v1 =	vld [tilespmem:s0+$0xFFFFFF80]  }
0x15c: {  	[tilespmem:s0+$0xFFFFFF20] =	vst v2;
	v2 =	vmul.f32 $8.000000000e+00, v4;
	v3 =	vld [tilespmem:s0+$0xFFFFFF90]  }
0x15d: {  	v4 =	vld [tilespmem:s0+$0xFFFFFFA0];
	[tilespmem:s0+$0xFFFFFF30] =	vst v0;
	v0 =	vmul.f32 $8.000000000e+00, v5  }
0x15e: {  	[tilespmem:s0+$0xFFFFFF40] =	vst v2;
	v2 =	vmul.f32 $8.000000000e+00, v6;
	v5 =	vld [tilespmem:s0+$0xFFFFFFB0]  }
0x15f: {  	v6 =	vld [tilespmem:s0+$0xFFFFFFC0];
	[tilespmem:s0+$0xFFFFFF50] =	vst v0;
	v0 =	vmul.f32 $8.000000000e+00, v7  }
0x160: {  	[tilespmem:s0+$0xFFFFFF60] =	vst v2;
	v2 =	vld [tilespmem:s0+$0xFFFFFFD0];
	v1 =	vmul.f32 $8.000000000e+00, v1  }
0x161: {  	[tilespmem:s0+$0xFFFFFF70] =	vst v0;
	v0 =	vmul.f32 $8.000000000e+00, v3;
	v3 =	vld [tilespmem:s0+$0xFFFFFFE0]  }
0x162: {  	[tilespmem:s0+$0xFFFFFF80] =	vst v1;
	v1 =	vmul.f32 $8.000000000e+00, v4;
	v4 =	vld [tilespmem:s0+$0xFFFFFFF0]  }
0x163: {  	[tilespmem:s0+$0xFFFFFF90] =	vst v0;
	v0 =	vmul.f32 $8.000000000e+00, v5;
	v5 =	vld [tilespmem:s0+$0x0]  }
0x164: {  	[tilespmem:s0+$0xFFFFFFA0] =	vst v1;
	v1 =	vmul.f32 $8.000000000e+00, v6;
	v6 =	vld [tilespmem:s0+$0x10]  }
0x165: {  	[tilespmem:s0+$0xFFFFFFB0] =	vst v0;
	v0 =	vmul.f32 $8.000000000e+00, v2;
	v2 =	vld [tilespmem:s0+$0x20]  }
0x166: {  	[tilespmem:s0+$0xFFFFFFC0] =	vst v1;
	v1 =	vmul.f32 $8.000000000e+00, v3;
	v3 =	vld [tilespmem:s0+$0x30]  }
0x167: {  	[tilespmem:s0+$0xFFFFFFD0] =	vst v0;
	v0 =	vmul.f32 $8.000000000e+00, v4;
	v4 =	vld [tilespmem:s0+$0x40]  }
0x168: {  	[tilespmem:s0+$0xFFFFFFE0] =	vst v1;
	v1 =	vmul.f32 $8.000000000e+00, v5;
	v5 =	vld [tilespmem:s0+$0x50]  }
0x169: {  	[tilespmem:s0+$0xFFFFFFF0] =	vst v0;
	v0 =	vmul.f32 $8.000000000e+00, v6;
	v6 =	vld [tilespmem:s0+$0x60]  }
0x16a: {  	[tilespmem:s0+$0x0] =	vst v1;
	v1 =	vmul.f32 $8.000000000e+00, v2;
	v2 =	vld [tilespmem:s0+$0x70]  }
0x16b: {  	[tilespmem:s0+$0x10] =	vst v0;
	v0 =	vmul.f32 $8.000000000e+00, v3;
	v3 =	vld [tilespmem:s0+$0x80]  }
0x16c: {  	[tilespmem:s0+$0x20] =	vst v1;
	v1 =	vmul.f32 $8.000000000e+00, v4;
	v4 =	vld [tilespmem:s0+$0x90]  }
0x16d: {  	v7 =	vld [tilespmem:s0+$0xA0];
	[tilespmem:s0+$0x30] =	vst v0;
	v5 =	vmul.f32 $8.000000000e+00, v5  }
0x16e: {  	v0 =	vld [tilespmem:s0+$0xB0];
	[tilespmem:s0+$0x40] =	vst v1;
	v6 =	vmul.f32 $8.000000000e+00, v6  }
0x16f: {  	v1 =	vld [tilespmem:s0+$0xC0];
	[tilespmem:s0+$0x50] =	vst v5;
	v5 =	vmul.f32 $8.000000000e+00, v2  }
0x170: {  	v2 =	vld [tilespmem:s0+$0xD0];
	[tilespmem:s0+$0x60] =	vst v6;
	v6 =	vmul.f32 $8.000000000e+00, v3  }
0x171: {  	v3 =	vld [tilespmem:s0+$0xE0];
	[tilespmem:s0+$0x70] =	vst v5;
	v5 =	vmul.f32 $8.000000000e+00, v4  }
0x172: {  	s6 =	simm.s32 $0x6700;
	s17 =	simm.s32 $0x0;
	v4 =	vld [tilespmem:s0+$0xFFFFFF00];
	[tilespmem:s0+$0x80] =	vst v6;
	v6 =	vmul.f32 $8.000000000e+00, v7  }
.LBB2_11:
0x173: {  	v7 =	vld [tilespmem:s6+$0xF0];
	s17 =	sadd.s32 $0x8, s17;
	[tilespmem:s0+$0x90] =	vst v5;
	v0 =	vmul.f32 $8.000000000e+00, v0  }
0x174: {  	v5 =	vld [tilespmem:s6+$0xFFFFFF10];
	p0 =	slt.u32 s17, $0xC0;
	[tilespmem:s0+$0xA0] =	vst v6;
	v1 =	vmul.f32 $8.000000000e+00, v1  }
0x175: {  	v6 =	vld [tilespmem:s6+$0xFFFFFF20];
	[tilespmem:s0+$0xB0] =	vst v0;
	v0 =	vmul.f32 $8.000000000e+00, v2  }
0x176: {  	v2 =	vld [tilespmem:s6+$0xFFFFFF30];
	[tilespmem:s0+$0xC0] =	vst v1;
	v1 =	vmul.f32 $8.000000000e+00, v3  }
0x177: {  	v3 =	vld [tilespmem:s6+$0xFFFFFF40];
	v4 =	vmul.f32 $8.000000000e+00, v4;
	[tilespmem:s0+$0xD0] =	vst v0  }
0x178: {  	v0 =	vld [tilespmem:s6+$0xFFFFFF50];
	v7 =	vmul.f32 $8.000000000e+00, v7;
	[tilespmem:s0+$0xE0] =	vst v1  }
0x179: {  	v1 =	vmul.f32 $8.000000000e+00, v5;
	v5 =	vld [tilespmem:s6+$0xFFFFFF60];
	[tilespmem:s0+$0xFFFFFF00] =	vst v4;
	s0 =	smov.u32 s6  }
0x17a: {  	v4 =	vmul.f32 $8.000000000e+00, v6;
	v6 =	vld [tilespmem:s6+$0xFFFFFF70];
	[tilespmem:s6+$0xF0] =	vst v7  }
0x17b: {  	[tilespmem:s6+$0xFFFFFF10] =	vst v1;
	v1 =	vmul.f32 $8.000000000e+00, v2;
	v2 =	vld [tilespmem:s6+$0xFFFFFF80]  }
0x17c: {  	[tilespmem:s6+$0xFFFFFF20] =	vst v4;
	v3 =	vmul.f32 $8.000000000e+00, v3;
	v4 =	vld [tilespmem:s6+$0xFFFFFF90]  }
0x17d: {  	[tilespmem:s6+$0xFFFFFF30] =	vst v1;
	v0 =	vmul.f32 $8.000000000e+00, v0;
	v1 =	vld [tilespmem:s6+$0xFFFFFFA0]  }
0x17e: {  	[tilespmem:s6+$0xFFFFFF40] =	vst v3;
	v3 =	vmul.f32 $8.000000000e+00, v5;
	v5 =	vld [tilespmem:s6+$0xFFFFFFB0]  }
0x17f: {  	[tilespmem:s6+$0xFFFFFF50] =	vst v0;
	v0 =	vmul.f32 $8.000000000e+00, v6;
	v6 =	vld [tilespmem:s6+$0xFFFFFFC0]  }
0x180: {  	[tilespmem:s6+$0xFFFFFF60] =	vst v3;
	v2 =	vmul.f32 $8.000000000e+00, v2;
	v3 =	vld [tilespmem:s6+$0xFFFFFFD0]  }
0x181: {  	[tilespmem:s6+$0xFFFFFF70] =	vst v0;
	v0 =	vmul.f32 $8.000000000e+00, v4;
	v4 =	vld [tilespmem:s6+$0xFFFFFFE0]  }
0x182: {  	[tilespmem:s6+$0xFFFFFF80] =	vst v2;
	v1 =	vmul.f32 $8.000000000e+00, v1;
	v2 =	vld [tilespmem:s6+$0xFFFFFFF0]  }
0x183: {  	[tilespmem:s6+$0xFFFFFF90] =	vst v0;
	v0 =	vmul.f32 $8.000000000e+00, v5;
	v5 =	vld [tilespmem:s6+$0x0]  }
0x184: {  	[tilespmem:s6+$0xFFFFFFA0] =	vst v1;
	v1 =	vmul.f32 $8.000000000e+00, v6;
	v6 =	vld [tilespmem:s6+$0x10]  }
0x185: {  	[tilespmem:s6+$0xFFFFFFB0] =	vst v0;
	v0 =	vmul.f32 $8.000000000e+00, v3;
	v3 =	vld [tilespmem:s6+$0x20]  }
0x186: {  	[tilespmem:s6+$0xFFFFFFC0] =	vst v1;
	v1 =	vmul.f32 $8.000000000e+00, v4;
	v4 =	vld [tilespmem:s6+$0x30]  }
0x187: {  	[tilespmem:s6+$0xFFFFFFD0] =	vst v0;
	v0 =	vmul.f32 $8.000000000e+00, v2;
	v2 =	vld [tilespmem:s6+$0x40]  }
0x188: {  	[tilespmem:s6+$0xFFFFFFE0] =	vst v1;
	v1 =	vmul.f32 $8.000000000e+00, v5;
	v5 =	vld [tilespmem:s6+$0x50]  }
0x189: {  	[tilespmem:s6+$0xFFFFFFF0] =	vst v0;
	v0 =	vmul.f32 $8.000000000e+00, v6;
	v6 =	vld [tilespmem:s6+$0x60]  }
0x18a: {  	[tilespmem:s6+$0x0] =	vst v1;
	v1 =	vmul.f32 $8.000000000e+00, v3;
	v3 =	vld [tilespmem:s6+$0x70]  }
0x18b: {  	[tilespmem:s6+$0x10] =	vst v0;
	v0 =	vmul.f32 $8.000000000e+00, v4;
	v4 =	vld [tilespmem:s6+$0x80]  }
0x18c: {  	[tilespmem:s6+$0x20] =	vst v1;
	v1 =	vmul.f32 $8.000000000e+00, v2;
	v7 =	vld [tilespmem:s6+$0x90]  }
0x18d: {  	[tilespmem:s6+$0x30] =	vst v0;
	v2 =	vmul.f32 $8.000000000e+00, v5;
	v8 =	vld [tilespmem:s6+$0xA0]  }
.Ltmp4:
0x18e: {  	[tilespmem:s6+$0x40] =	vst v1;
	v5 =	vmul.f32 $8.000000000e+00, v6;
	v0 =	vld [tilespmem:s6+$0xB0];
	(pc) =	sbr.rel @p0 .LBB2_11-.Ltmp4, $4  }
0x18f: {  	[tilespmem:s6+$0x50] =	vst v2;
	v3 =	vmul.f32 $8.000000000e+00, v3;
	v1 =	vld [tilespmem:s6+$0xC0]  }
0x190: {  	[tilespmem:s6+$0x60] =	vst v5;
	v6 =	vmul.f32 $8.000000000e+00, v4;
	v2 =	vld [tilespmem:s6+$0xD0]  }
0x191: {  	[tilespmem:s6+$0x70] =	vst v3;
	v5 =	vmul.f32 $8.000000000e+00, v7;
	v3 =	vld [tilespmem:s6+$0xE0]  }
0x192: {  	s6 =	sadd.s32 $0x200, s6;
	v4 =	vld [tilespmem:s0+$0xFFFFFF00];
	[tilespmem:s0+$0x80] =	vst v6;
	v6 =	vmul.f32 $8.000000000e+00, v8  }
0x193: {  	[tilespmem:s0+$0x90] =	vst v5;
	v0 =	vmul.f32 $8.000000000e+00, v0  }
0x194: {  	[tilespmem:s0+$0xA0] =	vst v6;
	v1 =	vmul.f32 $8.000000000e+00, v1  }
0x195: {  	[tilespmem:s0+$0xB0] =	vst v0;
	v0 =	vmul.f32 $8.000000000e+00, v2  }
0x196: {  	s1 =	sadd.s32 s4, s1;
	[tilespmem:s0+$0xC0] =	vst v1;
	v1 =	vmul.f32 $8.000000000e+00, v3  }
0x197: {  	s1 =	smul.u32 $0x640, s1;
	v2 =	vmul.f32 $8.000000000e+00, v4;
	[tilespmem:s0+$0xD0] =	vst v0  }
0x198: {  	[tilespmem:s0+$0xE0] =	vst v1  }
0x199: {  	s20 =	smul.u32 $0xC80, s30;
	s17 =	sadd.s32 s2, s1;
	[tilespmem:s0+$0xFFFFFF00] =	vst v2  }
0x19a: {  	[hbm4b:s17+s3] =	stream.linear.scatter [tilespmem:s14], [sflag:$0x5], $0x3200, $0x38;
	[tilespmem:$0x12C00] =	vst v63  }
0x19b: {  	_ =	swait.ge [sflag:s26], $0x3200  }
0x19c: {  	s1 =	sshra.s32 s20, $0x2;
	[sflag:s26] =	ssyncset.done $0x0  }
0x19d: {  	s0 =	sadd.s32 $0x4B0, s1;
	[sflag:s26] =	ssyncadd.s32 $0xFFFFCE00  }
0x19e: {  	[tilespmem:s18], [sflag:$0x3] =	stream.indirect.gather [hbm4b:s5+s13], $0x40, s0, s13, $0xb8;
	[tilespmem:$0x12C00] =	vst v63  }
0x19f: {  	_ =	swait.ge [sflag:s19], $0x3200  }
0x1a0: {  	[sflag:s19] =	ssyncset.done $0x0  }
0x1a1: {  	s0 =	simm.s32 $0x9700;
	[sflag:s19] =	ssyncadd.s32 $0xFFFFCE00  }
0x1a2: {  	v0 =	vld [tilespmem:s0+$0xF0]  }
0x1a3: {  	v1 =	vld [tilespmem:s0+$0xFFFFFF10]  }
0x1a4: {  	v2 =	vld [tilespmem:s0+$0xFFFFFF20]  }
0x1a5: {  	v3 =	vld [tilespmem:s0+$0xFFFFFF30]  }
0x1a6: {  	v4 =	vld [tilespmem:s0+$0xFFFFFF40]  }
0x1a7: {  	v5 =	vld [tilespmem:s0+$0xFFFFFF50];
	v0 =	vmul.f32 $8.000000000e+00, v0  }
0x1a8: {  	v6 =	vld [tilespmem:s0+$0xFFFFFF60];
	v1 =	vmul.f32 $8.000000000e+00, v1  }
0x1a9: {  	v7 =	vld [tilespmem:s0+$0xFFFFFF70];
	v2 =	vmul.f32 $8.000000000e+00, v2;
	[tilespmem:s0+$0xF0] =	vst v0  }
0x1aa: {  	[tilespmem:s0+$0xFFFFFF10] =	vst v1;
	v0 =	vmul.f32 $8.000000000e+00, v3;
	v1 =	vld [tilespmem:s0+$0xFFFFFF80]  }
0x1ab: {  	[tilespmem:s0+$0xFFFFFF20] =	vst v2;
	v2 =	vmul.f32 $8.000000000e+00, v4;
	v3 =	vld [tilespmem:s0+$0xFFFFFF90]  }
0x1ac: {  	v4 =	vld [tilespmem:s0+$0xFFFFFFA0];
	[tilespmem:s0+$0xFFFFFF30] =	vst v0;
	v0 =	vmul.f32 $8.000000000e+00, v5  }
0x1ad: {  	[tilespmem:s0+$0xFFFFFF40] =	vst v2;
	v2 =	vmul.f32 $8.000000000e+00, v6;
	v5 =	vld [tilespmem:s0+$0xFFFFFFB0]  }
0x1ae: {  	v6 =	vld [tilespmem:s0+$0xFFFFFFC0];
	[tilespmem:s0+$0xFFFFFF50] =	vst v0;
	v0 =	vmul.f32 $8.000000000e+00, v7  }
0x1af: {  	[tilespmem:s0+$0xFFFFFF60] =	vst v2;
	v2 =	vld [tilespmem:s0+$0xFFFFFFD0];
	v1 =	vmul.f32 $8.000000000e+00, v1  }
0x1b0: {  	[tilespmem:s0+$0xFFFFFF70] =	vst v0;
	v0 =	vmul.f32 $8.000000000e+00, v3;
	v3 =	vld [tilespmem:s0+$0xFFFFFFE0]  }
0x1b1: {  	[tilespmem:s0+$0xFFFFFF80] =	vst v1;
	v1 =	vmul.f32 $8.000000000e+00, v4;
	v4 =	vld [tilespmem:s0+$0xFFFFFFF0]  }
0x1b2: {  	[tilespmem:s0+$0xFFFFFF90] =	vst v0;
	v0 =	vmul.f32 $8.000000000e+00, v5;
	v5 =	vld [tilespmem:s0+$0x0]  }
0x1b3: {  	[tilespmem:s0+$0xFFFFFFA0] =	vst v1;
	v1 =	vmul.f32 $8.000000000e+00, v6;
	v6 =	vld [tilespmem:s0+$0x10]  }
0x1b4: {  	[tilespmem:s0+$0xFFFFFFB0] =	vst v0;
	v0 =	vmul.f32 $8.000000000e+00, v2;
	v2 =	vld [tilespmem:s0+$0x20]  }
0x1b5: {  	[tilespmem:s0+$0xFFFFFFC0] =	vst v1;
	v1 =	vmul.f32 $8.000000000e+00, v3;
	v3 =	vld [tilespmem:s0+$0x30]  }
0x1b6: {  	[tilespmem:s0+$0xFFFFFFD0] =	vst v0;
	v0 =	vmul.f32 $8.000000000e+00, v4;
	v4 =	vld [tilespmem:s0+$0x40]  }
0x1b7: {  	[tilespmem:s0+$0xFFFFFFE0] =	vst v1;
	v1 =	vmul.f32 $8.000000000e+00, v5;
	v5 =	vld [tilespmem:s0+$0x50]  }
0x1b8: {  	[tilespmem:s0+$0xFFFFFFF0] =	vst v0;
	v0 =	vmul.f32 $8.000000000e+00, v6;
	v6 =	vld [tilespmem:s0+$0x60]  }
0x1b9: {  	[tilespmem:s0+$0x0] =	vst v1;
	v1 =	vmul.f32 $8.000000000e+00, v2;
	v2 =	vld [tilespmem:s0+$0x70]  }
0x1ba: {  	[tilespmem:s0+$0x10] =	vst v0;
	v0 =	vmul.f32 $8.000000000e+00, v3;
	v3 =	vld [tilespmem:s0+$0x80]  }
0x1bb: {  	[tilespmem:s0+$0x20] =	vst v1;
	v1 =	vmul.f32 $8.000000000e+00, v4;
	v4 =	vld [tilespmem:s0+$0x90]  }
0x1bc: {  	v7 =	vld [tilespmem:s0+$0xA0];
	[tilespmem:s0+$0x30] =	vst v0;
	v5 =	vmul.f32 $8.000000000e+00, v5  }
0x1bd: {  	v0 =	vld [tilespmem:s0+$0xB0];
	[tilespmem:s0+$0x40] =	vst v1;
	v6 =	vmul.f32 $8.000000000e+00, v6  }
0x1be: {  	v1 =	vld [tilespmem:s0+$0xC0];
	[tilespmem:s0+$0x50] =	vst v5;
	v5 =	vmul.f32 $8.000000000e+00, v2  }
0x1bf: {  	v2 =	vld [tilespmem:s0+$0xD0];
	[tilespmem:s0+$0x60] =	vst v6;
	v6 =	vmul.f32 $8.000000000e+00, v3  }
0x1c0: {  	v3 =	vld [tilespmem:s0+$0xE0];
	[tilespmem:s0+$0x70] =	vst v5;
	v5 =	vmul.f32 $8.000000000e+00, v4  }
0x1c1: {  	s6 =	simm.s32 $0x9900;
	s17 =	simm.s32 $0x0;
	v4 =	vld [tilespmem:s0+$0xFFFFFF00];
	[tilespmem:s0+$0x80] =	vst v6;
	v6 =	vmul.f32 $8.000000000e+00, v7  }
.LBB2_13:
0x1c2: {  	v7 =	vld [tilespmem:s6+$0xF0];
	s17 =	sadd.s32 $0x8, s17;
	[tilespmem:s0+$0x90] =	vst v5;
	v0 =	vmul.f32 $8.000000000e+00, v0  }
0x1c3: {  	v5 =	vld [tilespmem:s6+$0xFFFFFF10];
	p0 =	slt.u32 s17, $0xC0;
	[tilespmem:s0+$0xA0] =	vst v6;
	v1 =	vmul.f32 $8.000000000e+00, v1  }
0x1c4: {  	v6 =	vld [tilespmem:s6+$0xFFFFFF20];
	[tilespmem:s0+$0xB0] =	vst v0;
	v0 =	vmul.f32 $8.000000000e+00, v2  }
0x1c5: {  	v2 =	vld [tilespmem:s6+$0xFFFFFF30];
	[tilespmem:s0+$0xC0] =	vst v1;
	v1 =	vmul.f32 $8.000000000e+00, v3  }
0x1c6: {  	v3 =	vld [tilespmem:s6+$0xFFFFFF40];
	v4 =	vmul.f32 $8.000000000e+00, v4;
	[tilespmem:s0+$0xD0] =	vst v0  }
0x1c7: {  	v0 =	vld [tilespmem:s6+$0xFFFFFF50];
	v7 =	vmul.f32 $8.000000000e+00, v7;
	[tilespmem:s0+$0xE0] =	vst v1  }
0x1c8: {  	v1 =	vmul.f32 $8.000000000e+00, v5;
	v5 =	vld [tilespmem:s6+$0xFFFFFF60];
	[tilespmem:s0+$0xFFFFFF00] =	vst v4;
	s0 =	smov.u32 s6  }
0x1c9: {  	v4 =	vmul.f32 $8.000000000e+00, v6;
	v6 =	vld [tilespmem:s6+$0xFFFFFF70];
	[tilespmem:s6+$0xF0] =	vst v7  }
0x1ca: {  	[tilespmem:s6+$0xFFFFFF10] =	vst v1;
	v1 =	vmul.f32 $8.000000000e+00, v2;
	v2 =	vld [tilespmem:s6+$0xFFFFFF80]  }
0x1cb: {  	[tilespmem:s6+$0xFFFFFF20] =	vst v4;
	v3 =	vmul.f32 $8.000000000e+00, v3;
	v4 =	vld [tilespmem:s6+$0xFFFFFF90]  }
0x1cc: {  	[tilespmem:s6+$0xFFFFFF30] =	vst v1;
	v0 =	vmul.f32 $8.000000000e+00, v0;
	v1 =	vld [tilespmem:s6+$0xFFFFFFA0]  }
0x1cd: {  	[tilespmem:s6+$0xFFFFFF40] =	vst v3;
	v3 =	vmul.f32 $8.000000000e+00, v5;
	v5 =	vld [tilespmem:s6+$0xFFFFFFB0]  }
0x1ce: {  	[tilespmem:s6+$0xFFFFFF50] =	vst v0;
	v0 =	vmul.f32 $8.000000000e+00, v6;
	v6 =	vld [tilespmem:s6+$0xFFFFFFC0]  }
0x1cf: {  	[tilespmem:s6+$0xFFFFFF60] =	vst v3;
	v2 =	vmul.f32 $8.000000000e+00, v2;
	v3 =	vld [tilespmem:s6+$0xFFFFFFD0]  }
0x1d0: {  	[tilespmem:s6+$0xFFFFFF70] =	vst v0;
	v0 =	vmul.f32 $8.000000000e+00, v4;
	v4 =	vld [tilespmem:s6+$0xFFFFFFE0]  }
0x1d1: {  	[tilespmem:s6+$0xFFFFFF80] =	vst v2;
	v1 =	vmul.f32 $8.000000000e+00, v1;
	v2 =	vld [tilespmem:s6+$0xFFFFFFF0]  }
0x1d2: {  	[tilespmem:s6+$0xFFFFFF90] =	vst v0;
	v0 =	vmul.f32 $8.000000000e+00, v5;
	v5 =	vld [tilespmem:s6+$0x0]  }
0x1d3: {  	[tilespmem:s6+$0xFFFFFFA0] =	vst v1;
	v1 =	vmul.f32 $8.000000000e+00, v6;
	v6 =	vld [tilespmem:s6+$0x10]  }
0x1d4: {  	[tilespmem:s6+$0xFFFFFFB0] =	vst v0;
	v0 =	vmul.f32 $8.000000000e+00, v3;
	v3 =	vld [tilespmem:s6+$0x20]  }
0x1d5: {  	[tilespmem:s6+$0xFFFFFFC0] =	vst v1;
	v1 =	vmul.f32 $8.000000000e+00, v4;
	v4 =	vld [tilespmem:s6+$0x30]  }
0x1d6: {  	[tilespmem:s6+$0xFFFFFFD0] =	vst v0;
	v0 =	vmul.f32 $8.000000000e+00, v2;
	v2 =	vld [tilespmem:s6+$0x40]  }
0x1d7: {  	[tilespmem:s6+$0xFFFFFFE0] =	vst v1;
	v1 =	vmul.f32 $8.000000000e+00, v5;
	v5 =	vld [tilespmem:s6+$0x50]  }
0x1d8: {  	[tilespmem:s6+$0xFFFFFFF0] =	vst v0;
	v0 =	vmul.f32 $8.000000000e+00, v6;
	v6 =	vld [tilespmem:s6+$0x60]  }
0x1d9: {  	[tilespmem:s6+$0x0] =	vst v1;
	v1 =	vmul.f32 $8.000000000e+00, v3;
	v3 =	vld [tilespmem:s6+$0x70]  }
0x1da: {  	[tilespmem:s6+$0x10] =	vst v0;
	v0 =	vmul.f32 $8.000000000e+00, v4;
	v4 =	vld [tilespmem:s6+$0x80]  }
0x1db: {  	[tilespmem:s6+$0x20] =	vst v1;
	v1 =	vmul.f32 $8.000000000e+00, v2;
	v7 =	vld [tilespmem:s6+$0x90]  }
0x1dc: {  	[tilespmem:s6+$0x30] =	vst v0;
	v2 =	vmul.f32 $8.000000000e+00, v5;
	v8 =	vld [tilespmem:s6+$0xA0]  }
.Ltmp5:
0x1dd: {  	[tilespmem:s6+$0x40] =	vst v1;
	v5 =	vmul.f32 $8.000000000e+00, v6;
	v0 =	vld [tilespmem:s6+$0xB0];
	(pc) =	sbr.rel @p0 .LBB2_13-.Ltmp5, $4  }
0x1de: {  	[tilespmem:s6+$0x50] =	vst v2;
	v3 =	vmul.f32 $8.000000000e+00, v3;
	v1 =	vld [tilespmem:s6+$0xC0]  }
0x1df: {  	[tilespmem:s6+$0x60] =	vst v5;
	v6 =	vmul.f32 $8.000000000e+00, v4;
	v2 =	vld [tilespmem:s6+$0xD0]  }
0x1e0: {  	[tilespmem:s6+$0x70] =	vst v3;
	v5 =	vmul.f32 $8.000000000e+00, v7;
	v3 =	vld [tilespmem:s6+$0xE0]  }
0x1e1: {  	s6 =	sadd.s32 $0x200, s6;
	v4 =	vld [tilespmem:s0+$0xFFFFFF00];
	[tilespmem:s0+$0x80] =	vst v6;
	v6 =	vmul.f32 $8.000000000e+00, v8  }
0x1e2: {  	[tilespmem:s0+$0x90] =	vst v5;
	v0 =	vmul.f32 $8.000000000e+00, v0  }
0x1e3: {  	[tilespmem:s0+$0xA0] =	vst v6;
	v1 =	vmul.f32 $8.000000000e+00, v1  }
0x1e4: {  	[tilespmem:s0+$0xB0] =	vst v0;
	v61 =	vmul.f32 $8.000000000e+00, v2  }
0x1e5: {  	s6 =	sadd.s32 s4, s31;
	[tilespmem:s0+$0xC0] =	vst v1;
	v62 =	vmul.f32 $8.000000000e+00, v3  }
0x1e6: {  	s6 =	smul.u32 $0x640, s6;
	v63 =	vmul.f32 $8.000000000e+00, v4;
	[tilespmem:s0+$0xD0] =	vst v61  }
0x1e7: {  	s30 =	sadd.s32 $0x1, s30;
	[tilespmem:s0+$0xE0] =	vst v62  }
0x1e8: {  	p0 =	sne.s32 s30, $0x1F;
	s20 =	sadd.s32 s2, s6;
	[tilespmem:s0+$0xFFFFFF00] =	vst v63  }
0x1e9: {  	[hbm4b:s20+s3] =	stream.linear.scatter [tilespmem:s15], [sflag:$0x6], $0x3200, $0x38;
	[tilespmem:$0x12C00] =	vst v63  }
.Ltmp6:
0x1ea: {  	_ = 	snop;
	(pc) =	sbr.rel @p0 .LBB2_6-.Ltmp6, $4  }
0x1eb: {  	_ =	swait.ge [sflag:s28], $0x3200  }
0x1ec: {  	[sflag:s28] =	ssyncset.done $0x0  }
0x1ed: {  	s31 =	sadd.s32 $0x578, s1;
	[sflag:s28] =	ssyncadd.s32 $0xFFFFCE00  }
0x1ee: {  	[tilespmem:s21], [sflag:$0x4] =	stream.indirect.gather [hbm4b:s5+s13], $0x40, s31, s13, $0xb8;
	[tilespmem:$0x12C00] =	vst v63  }
0x1ef: {  	_ =	swait.ge [sflag:s22], $0x3200  }
0x1f0: {  	[sflag:s22] =	ssyncset.done $0x0  }
0x1f1: {  	s0 =	simm.s32 $0xC900;
	[sflag:s22] =	ssyncadd.s32 $0xFFFFCE00  }
0x1f2: {  	v0 =	vld [tilespmem:s0+$0xF0]  }
0x1f3: {  	v1 =	vld [tilespmem:s0+$0xFFFFFF10]  }
0x1f4: {  	v2 =	vld [tilespmem:s0+$0xFFFFFF20]  }
0x1f5: {  	v3 =	vld [tilespmem:s0+$0xFFFFFF30]  }
0x1f6: {  	v4 =	vld [tilespmem:s0+$0xFFFFFF40]  }
0x1f7: {  	v5 =	vld [tilespmem:s0+$0xFFFFFF50];
	v0 =	vmul.f32 $8.000000000e+00, v0  }
0x1f8: {  	v6 =	vld [tilespmem:s0+$0xFFFFFF60];
	v1 =	vmul.f32 $8.000000000e+00, v1  }
0x1f9: {  	v7 =	vld [tilespmem:s0+$0xFFFFFF70];
	v2 =	vmul.f32 $8.000000000e+00, v2;
	[tilespmem:s0+$0xF0] =	vst v0  }
0x1fa: {  	[tilespmem:s0+$0xFFFFFF10] =	vst v1;
	v0 =	vmul.f32 $8.000000000e+00, v3;
	v1 =	vld [tilespmem:s0+$0xFFFFFF80]  }
0x1fb: {  	[tilespmem:s0+$0xFFFFFF20] =	vst v2;
	v2 =	vmul.f32 $8.000000000e+00, v4;
	v3 =	vld [tilespmem:s0+$0xFFFFFF90]  }
0x1fc: {  	v4 =	vld [tilespmem:s0+$0xFFFFFFA0];
	[tilespmem:s0+$0xFFFFFF30] =	vst v0;
	v0 =	vmul.f32 $8.000000000e+00, v5  }
0x1fd: {  	[tilespmem:s0+$0xFFFFFF40] =	vst v2;
	v2 =	vmul.f32 $8.000000000e+00, v6;
	v5 =	vld [tilespmem:s0+$0xFFFFFFB0]  }
0x1fe: {  	v6 =	vld [tilespmem:s0+$0xFFFFFFC0];
	[tilespmem:s0+$0xFFFFFF50] =	vst v0;
	v0 =	vmul.f32 $8.000000000e+00, v7  }
0x1ff: {  	[tilespmem:s0+$0xFFFFFF60] =	vst v2;
	v2 =	vld [tilespmem:s0+$0xFFFFFFD0];
	v1 =	vmul.f32 $8.000000000e+00, v1  }
0x200: {  	[tilespmem:s0+$0xFFFFFF70] =	vst v0;
	v0 =	vmul.f32 $8.000000000e+00, v3;
	v3 =	vld [tilespmem:s0+$0xFFFFFFE0]  }
0x201: {  	[tilespmem:s0+$0xFFFFFF80] =	vst v1;
	v1 =	vmul.f32 $8.000000000e+00, v4;
	v4 =	vld [tilespmem:s0+$0xFFFFFFF0]  }
0x202: {  	[tilespmem:s0+$0xFFFFFF90] =	vst v0;
	v0 =	vmul.f32 $8.000000000e+00, v5;
	v5 =	vld [tilespmem:s0+$0x0]  }
0x203: {  	[tilespmem:s0+$0xFFFFFFA0] =	vst v1;
	v1 =	vmul.f32 $8.000000000e+00, v6;
	v6 =	vld [tilespmem:s0+$0x10]  }
0x204: {  	[tilespmem:s0+$0xFFFFFFB0] =	vst v0;
	v0 =	vmul.f32 $8.000000000e+00, v2;
	v2 =	vld [tilespmem:s0+$0x20]  }
0x205: {  	[tilespmem:s0+$0xFFFFFFC0] =	vst v1;
	v1 =	vmul.f32 $8.000000000e+00, v3;
	v3 =	vld [tilespmem:s0+$0x30]  }
0x206: {  	[tilespmem:s0+$0xFFFFFFD0] =	vst v0;
	v0 =	vmul.f32 $8.000000000e+00, v4;
	v4 =	vld [tilespmem:s0+$0x40]  }
0x207: {  	[tilespmem:s0+$0xFFFFFFE0] =	vst v1;
	v1 =	vmul.f32 $8.000000000e+00, v5;
	v5 =	vld [tilespmem:s0+$0x50]  }
0x208: {  	[tilespmem:s0+$0xFFFFFFF0] =	vst v0;
	v0 =	vmul.f32 $8.000000000e+00, v6;
	v6 =	vld [tilespmem:s0+$0x60]  }
0x209: {  	[tilespmem:s0+$0x0] =	vst v1;
	v1 =	vmul.f32 $8.000000000e+00, v2;
	v2 =	vld [tilespmem:s0+$0x70]  }
0x20a: {  	[tilespmem:s0+$0x10] =	vst v0;
	v0 =	vmul.f32 $8.000000000e+00, v3;
	v3 =	vld [tilespmem:s0+$0x80]  }
0x20b: {  	[tilespmem:s0+$0x20] =	vst v1;
	v1 =	vmul.f32 $8.000000000e+00, v4;
	v4 =	vld [tilespmem:s0+$0x90]  }
0x20c: {  	v7 =	vld [tilespmem:s0+$0xA0];
	[tilespmem:s0+$0x30] =	vst v0;
	v5 =	vmul.f32 $8.000000000e+00, v5  }
0x20d: {  	v0 =	vld [tilespmem:s0+$0xB0];
	[tilespmem:s0+$0x40] =	vst v1;
	v6 =	vmul.f32 $8.000000000e+00, v6  }
0x20e: {  	v1 =	vld [tilespmem:s0+$0xC0];
	[tilespmem:s0+$0x50] =	vst v5;
	v5 =	vmul.f32 $8.000000000e+00, v2  }
0x20f: {  	v2 =	vld [tilespmem:s0+$0xD0];
	[tilespmem:s0+$0x60] =	vst v6;
	v6 =	vmul.f32 $8.000000000e+00, v3  }
0x210: {  	v3 =	vld [tilespmem:s0+$0xE0];
	[tilespmem:s0+$0x70] =	vst v5;
	v5 =	vmul.f32 $8.000000000e+00, v4  }
0x211: {  	s1 =	simm.s32 $0x0;
	s6 =	simm.s32 $0xCB00;
	v4 =	vld [tilespmem:s0+$0xFFFFFF00];
	[tilespmem:s0+$0x80] =	vst v6;
	v6 =	vmul.f32 $8.000000000e+00, v7  }
.LBB2_16:
0x212: {  	v7 =	vld [tilespmem:s6+$0xF0];
	s1 =	sadd.s32 $0x8, s1;
	[tilespmem:s0+$0x90] =	vst v5;
	v0 =	vmul.f32 $8.000000000e+00, v0  }
0x213: {  	v5 =	vld [tilespmem:s6+$0xFFFFFF10];
	p0 =	slt.u32 s1, $0xC0;
	[tilespmem:s0+$0xA0] =	vst v6;
	v1 =	vmul.f32 $8.000000000e+00, v1  }
0x214: {  	v6 =	vld [tilespmem:s6+$0xFFFFFF20];
	[tilespmem:s0+$0xB0] =	vst v0;
	v0 =	vmul.f32 $8.000000000e+00, v2  }
0x215: {  	v2 =	vld [tilespmem:s6+$0xFFFFFF30];
	[tilespmem:s0+$0xC0] =	vst v1;
	v1 =	vmul.f32 $8.000000000e+00, v3  }
0x216: {  	v3 =	vld [tilespmem:s6+$0xFFFFFF40];
	v4 =	vmul.f32 $8.000000000e+00, v4;
	[tilespmem:s0+$0xD0] =	vst v0  }
0x217: {  	v0 =	vld [tilespmem:s6+$0xFFFFFF50];
	v7 =	vmul.f32 $8.000000000e+00, v7;
	[tilespmem:s0+$0xE0] =	vst v1  }
0x218: {  	v1 =	vmul.f32 $8.000000000e+00, v5;
	v5 =	vld [tilespmem:s6+$0xFFFFFF60];
	[tilespmem:s0+$0xFFFFFF00] =	vst v4;
	s0 =	smov.u32 s6  }
0x219: {  	v4 =	vmul.f32 $8.000000000e+00, v6;
	v6 =	vld [tilespmem:s6+$0xFFFFFF70];
	[tilespmem:s6+$0xF0] =	vst v7  }
0x21a: {  	[tilespmem:s6+$0xFFFFFF10] =	vst v1;
	v1 =	vmul.f32 $8.000000000e+00, v2;
	v2 =	vld [tilespmem:s6+$0xFFFFFF80]  }
0x21b: {  	[tilespmem:s6+$0xFFFFFF20] =	vst v4;
	v3 =	vmul.f32 $8.000000000e+00, v3;
	v4 =	vld [tilespmem:s6+$0xFFFFFF90]  }
0x21c: {  	[tilespmem:s6+$0xFFFFFF30] =	vst v1;
	v0 =	vmul.f32 $8.000000000e+00, v0;
	v1 =	vld [tilespmem:s6+$0xFFFFFFA0]  }
0x21d: {  	[tilespmem:s6+$0xFFFFFF40] =	vst v3;
	v3 =	vmul.f32 $8.000000000e+00, v5;
	v5 =	vld [tilespmem:s6+$0xFFFFFFB0]  }
0x21e: {  	[tilespmem:s6+$0xFFFFFF50] =	vst v0;
	v0 =	vmul.f32 $8.000000000e+00, v6;
	v6 =	vld [tilespmem:s6+$0xFFFFFFC0]  }
0x21f: {  	[tilespmem:s6+$0xFFFFFF60] =	vst v3;
	v2 =	vmul.f32 $8.000000000e+00, v2;
	v3 =	vld [tilespmem:s6+$0xFFFFFFD0]  }
0x220: {  	[tilespmem:s6+$0xFFFFFF70] =	vst v0;
	v0 =	vmul.f32 $8.000000000e+00, v4;
	v4 =	vld [tilespmem:s6+$0xFFFFFFE0]  }
0x221: {  	[tilespmem:s6+$0xFFFFFF80] =	vst v2;
	v1 =	vmul.f32 $8.000000000e+00, v1;
	v2 =	vld [tilespmem:s6+$0xFFFFFFF0]  }
0x222: {  	[tilespmem:s6+$0xFFFFFF90] =	vst v0;
	v0 =	vmul.f32 $8.000000000e+00, v5;
	v5 =	vld [tilespmem:s6+$0x0]  }
0x223: {  	[tilespmem:s6+$0xFFFFFFA0] =	vst v1;
	v1 =	vmul.f32 $8.000000000e+00, v6;
	v6 =	vld [tilespmem:s6+$0x10]  }
0x224: {  	[tilespmem:s6+$0xFFFFFFB0] =	vst v0;
	v0 =	vmul.f32 $8.000000000e+00, v3;
	v3 =	vld [tilespmem:s6+$0x20]  }
0x225: {  	[tilespmem:s6+$0xFFFFFFC0] =	vst v1;
	v1 =	vmul.f32 $8.000000000e+00, v4;
	v4 =	vld [tilespmem:s6+$0x30]  }
0x226: {  	[tilespmem:s6+$0xFFFFFFD0] =	vst v0;
	v0 =	vmul.f32 $8.000000000e+00, v2;
	v2 =	vld [tilespmem:s6+$0x40]  }
0x227: {  	[tilespmem:s6+$0xFFFFFFE0] =	vst v1;
	v1 =	vmul.f32 $8.000000000e+00, v5;
	v5 =	vld [tilespmem:s6+$0x50]  }
0x228: {  	[tilespmem:s6+$0xFFFFFFF0] =	vst v0;
	v0 =	vmul.f32 $8.000000000e+00, v6;
	v6 =	vld [tilespmem:s6+$0x60]  }
0x229: {  	[tilespmem:s6+$0x0] =	vst v1;
	v1 =	vmul.f32 $8.000000000e+00, v3;
	v3 =	vld [tilespmem:s6+$0x70]  }
0x22a: {  	[tilespmem:s6+$0x10] =	vst v0;
	v0 =	vmul.f32 $8.000000000e+00, v4;
	v4 =	vld [tilespmem:s6+$0x80]  }
0x22b: {  	[tilespmem:s6+$0x20] =	vst v1;
	v1 =	vmul.f32 $8.000000000e+00, v2;
	v7 =	vld [tilespmem:s6+$0x90]  }
0x22c: {  	[tilespmem:s6+$0x30] =	vst v0;
	v2 =	vmul.f32 $8.000000000e+00, v5;
	v8 =	vld [tilespmem:s6+$0xA0]  }
.Ltmp7:
0x22d: {  	[tilespmem:s6+$0x40] =	vst v1;
	v5 =	vmul.f32 $8.000000000e+00, v6;
	v0 =	vld [tilespmem:s6+$0xB0];
	(pc) =	sbr.rel @p0 .LBB2_16-.Ltmp7, $4  }
0x22e: {  	[tilespmem:s6+$0x50] =	vst v2;
	v3 =	vmul.f32 $8.000000000e+00, v3;
	v1 =	vld [tilespmem:s6+$0xC0]  }
0x22f: {  	[tilespmem:s6+$0x60] =	vst v5;
	v6 =	vmul.f32 $8.000000000e+00, v4;
	v2 =	vld [tilespmem:s6+$0xD0]  }
0x230: {  	[tilespmem:s6+$0x70] =	vst v3;
	v5 =	vmul.f32 $8.000000000e+00, v7;
	v3 =	vld [tilespmem:s6+$0xE0]  }
0x231: {  	s6 =	sadd.s32 $0x200, s6;
	v4 =	vld [tilespmem:s0+$0xFFFFFF00];
	[tilespmem:s0+$0x80] =	vst v6;
	v6 =	vmul.f32 $8.000000000e+00, v8  }
0x232: {  	[tilespmem:s0+$0x90] =	vst v5;
	v0 =	vmul.f32 $8.000000000e+00, v0  }
0x233: {  	[tilespmem:s0+$0xA0] =	vst v6;
	v1 =	vmul.f32 $8.000000000e+00, v1  }
0x234: {  	[tilespmem:s0+$0xB0] =	vst v0;
	v0 =	vmul.f32 $8.000000000e+00, v2  }
0x235: {  	[tilespmem:s0+$0xC0] =	vst v1;
	v1 =	vmul.f32 $8.000000000e+00, v3  }
0x236: {  	v2 =	vmul.f32 $8.000000000e+00, v4;
	[tilespmem:s0+$0xD0] =	vst v0  }
0x237: {  	[tilespmem:s0+$0xE0] =	vst v1  }
0x238: {  	[tilespmem:s0+$0xFFFFFF00] =	vst v2  }
0x239: {  	[hbm4b:s9+s3] =	stream.linear.scatter [tilespmem:s18], [sflag:$0x7], $0x3200, $0x38;
	[tilespmem:$0x12C00] =	vst v63  }
0x23a: {  	_ =	swait.ge [sflag:s24], $0x3200  }
0x23b: {  	[sflag:s24] =	ssyncset.done $0x0  }
0x23c: {  	s0 =	simm.s32 $0xFB00;
	[sflag:s24] =	ssyncadd.s32 $0xFFFFCE00  }
0x23d: {  	v0 =	vld [tilespmem:s0+$0xF0]  }
0x23e: {  	v1 =	vld [tilespmem:s0+$0xFFFFFF10]  }
0x23f: {  	v2 =	vld [tilespmem:s0+$0xFFFFFF20]  }
0x240: {  	v3 =	vld [tilespmem:s0+$0xFFFFFF30]  }
0x241: {  	v4 =	vld [tilespmem:s0+$0xFFFFFF40]  }
0x242: {  	v5 =	vld [tilespmem:s0+$0xFFFFFF50];
	v0 =	vmul.f32 $8.000000000e+00, v0  }
0x243: {  	v6 =	vld [tilespmem:s0+$0xFFFFFF60];
	v1 =	vmul.f32 $8.000000000e+00, v1  }
0x244: {  	v7 =	vld [tilespmem:s0+$0xFFFFFF70];
	v2 =	vmul.f32 $8.000000000e+00, v2;
	[tilespmem:s0+$0xF0] =	vst v0  }
0x245: {  	[tilespmem:s0+$0xFFFFFF10] =	vst v1;
	v0 =	vmul.f32 $8.000000000e+00, v3;
	v1 =	vld [tilespmem:s0+$0xFFFFFF80]  }
0x246: {  	[tilespmem:s0+$0xFFFFFF20] =	vst v2;
	v2 =	vmul.f32 $8.000000000e+00, v4;
	v3 =	vld [tilespmem:s0+$0xFFFFFF90]  }
0x247: {  	v4 =	vld [tilespmem:s0+$0xFFFFFFA0];
	[tilespmem:s0+$0xFFFFFF30] =	vst v0;
	v0 =	vmul.f32 $8.000000000e+00, v5  }
0x248: {  	[tilespmem:s0+$0xFFFFFF40] =	vst v2;
	v2 =	vmul.f32 $8.000000000e+00, v6;
	v5 =	vld [tilespmem:s0+$0xFFFFFFB0]  }
0x249: {  	v6 =	vld [tilespmem:s0+$0xFFFFFFC0];
	[tilespmem:s0+$0xFFFFFF50] =	vst v0;
	v0 =	vmul.f32 $8.000000000e+00, v7  }
0x24a: {  	[tilespmem:s0+$0xFFFFFF60] =	vst v2;
	v2 =	vld [tilespmem:s0+$0xFFFFFFD0];
	v1 =	vmul.f32 $8.000000000e+00, v1  }
0x24b: {  	[tilespmem:s0+$0xFFFFFF70] =	vst v0;
	v0 =	vmul.f32 $8.000000000e+00, v3;
	v3 =	vld [tilespmem:s0+$0xFFFFFFE0]  }
0x24c: {  	[tilespmem:s0+$0xFFFFFF80] =	vst v1;
	v1 =	vmul.f32 $8.000000000e+00, v4;
	v4 =	vld [tilespmem:s0+$0xFFFFFFF0]  }
0x24d: {  	[tilespmem:s0+$0xFFFFFF90] =	vst v0;
	v0 =	vmul.f32 $8.000000000e+00, v5;
	v5 =	vld [tilespmem:s0+$0x0]  }
0x24e: {  	[tilespmem:s0+$0xFFFFFFA0] =	vst v1;
	v1 =	vmul.f32 $8.000000000e+00, v6;
	v6 =	vld [tilespmem:s0+$0x10]  }
0x24f: {  	[tilespmem:s0+$0xFFFFFFB0] =	vst v0;
	v0 =	vmul.f32 $8.000000000e+00, v2;
	v2 =	vld [tilespmem:s0+$0x20]  }
0x250: {  	[tilespmem:s0+$0xFFFFFFC0] =	vst v1;
	v1 =	vmul.f32 $8.000000000e+00, v3;
	v3 =	vld [tilespmem:s0+$0x30]  }
0x251: {  	[tilespmem:s0+$0xFFFFFFD0] =	vst v0;
	v0 =	vmul.f32 $8.000000000e+00, v4;
	v4 =	vld [tilespmem:s0+$0x40]  }
0x252: {  	[tilespmem:s0+$0xFFFFFFE0] =	vst v1;
	v1 =	vmul.f32 $8.000000000e+00, v5;
	v5 =	vld [tilespmem:s0+$0x50]  }
0x253: {  	[tilespmem:s0+$0xFFFFFFF0] =	vst v0;
	v0 =	vmul.f32 $8.000000000e+00, v6;
	v6 =	vld [tilespmem:s0+$0x60]  }
0x254: {  	[tilespmem:s0+$0x0] =	vst v1;
	v1 =	vmul.f32 $8.000000000e+00, v2;
	v2 =	vld [tilespmem:s0+$0x70]  }
0x255: {  	[tilespmem:s0+$0x10] =	vst v0;
	v0 =	vmul.f32 $8.000000000e+00, v3;
	v3 =	vld [tilespmem:s0+$0x80]  }
0x256: {  	[tilespmem:s0+$0x20] =	vst v1;
	v1 =	vmul.f32 $8.000000000e+00, v4;
	v4 =	vld [tilespmem:s0+$0x90]  }
0x257: {  	v7 =	vld [tilespmem:s0+$0xA0];
	[tilespmem:s0+$0x30] =	vst v0;
	v5 =	vmul.f32 $8.000000000e+00, v5  }
0x258: {  	v0 =	vld [tilespmem:s0+$0xB0];
	[tilespmem:s0+$0x40] =	vst v1;
	v6 =	vmul.f32 $8.000000000e+00, v6  }
0x259: {  	v1 =	vld [tilespmem:s0+$0xC0];
	[tilespmem:s0+$0x50] =	vst v5;
	v5 =	vmul.f32 $8.000000000e+00, v2  }
0x25a: {  	v2 =	vld [tilespmem:s0+$0xD0];
	[tilespmem:s0+$0x60] =	vst v6;
	v6 =	vmul.f32 $8.000000000e+00, v3  }
0x25b: {  	v3 =	vld [tilespmem:s0+$0xE0];
	[tilespmem:s0+$0x70] =	vst v5;
	v5 =	vmul.f32 $8.000000000e+00, v4  }
0x25c: {  	s1 =	simm.s32 $0x0;
	s6 =	simm.s32 $0xFD00;
	v4 =	vld [tilespmem:s0+$0xFFFFFF00];
	[tilespmem:s0+$0x80] =	vst v6;
	v6 =	vmul.f32 $8.000000000e+00, v7  }
.LBB2_18:
0x25d: {  	v7 =	vld [tilespmem:s6+$0xF0];
	s1 =	sadd.s32 $0x8, s1;
	[tilespmem:s0+$0x90] =	vst v5;
	v0 =	vmul.f32 $8.000000000e+00, v0  }
0x25e: {  	v5 =	vld [tilespmem:s6+$0xFFFFFF10];
	p0 =	slt.u32 s1, $0xC0;
	[tilespmem:s0+$0xA0] =	vst v6;
	v1 =	vmul.f32 $8.000000000e+00, v1  }
0x25f: {  	v6 =	vld [tilespmem:s6+$0xFFFFFF20];
	[tilespmem:s0+$0xB0] =	vst v0;
	v0 =	vmul.f32 $8.000000000e+00, v2  }
0x260: {  	v2 =	vld [tilespmem:s6+$0xFFFFFF30];
	[tilespmem:s0+$0xC0] =	vst v1;
	v1 =	vmul.f32 $8.000000000e+00, v3  }
0x261: {  	v3 =	vld [tilespmem:s6+$0xFFFFFF40];
	v4 =	vmul.f32 $8.000000000e+00, v4;
	[tilespmem:s0+$0xD0] =	vst v0  }
0x262: {  	v0 =	vld [tilespmem:s6+$0xFFFFFF50];
	v7 =	vmul.f32 $8.000000000e+00, v7;
	[tilespmem:s0+$0xE0] =	vst v1  }
0x263: {  	v1 =	vmul.f32 $8.000000000e+00, v5;
	v5 =	vld [tilespmem:s6+$0xFFFFFF60];
	[tilespmem:s0+$0xFFFFFF00] =	vst v4;
	s0 =	smov.u32 s6  }
0x264: {  	v4 =	vmul.f32 $8.000000000e+00, v6;
	v6 =	vld [tilespmem:s6+$0xFFFFFF70];
	[tilespmem:s6+$0xF0] =	vst v7  }
0x265: {  	[tilespmem:s6+$0xFFFFFF10] =	vst v1;
	v1 =	vmul.f32 $8.000000000e+00, v2;
	v2 =	vld [tilespmem:s6+$0xFFFFFF80]  }
0x266: {  	[tilespmem:s6+$0xFFFFFF20] =	vst v4;
	v3 =	vmul.f32 $8.000000000e+00, v3;
	v4 =	vld [tilespmem:s6+$0xFFFFFF90]  }
0x267: {  	[tilespmem:s6+$0xFFFFFF30] =	vst v1;
	v0 =	vmul.f32 $8.000000000e+00, v0;
	v1 =	vld [tilespmem:s6+$0xFFFFFFA0]  }
0x268: {  	[tilespmem:s6+$0xFFFFFF40] =	vst v3;
	v3 =	vmul.f32 $8.000000000e+00, v5;
	v5 =	vld [tilespmem:s6+$0xFFFFFFB0]  }
0x269: {  	[tilespmem:s6+$0xFFFFFF50] =	vst v0;
	v0 =	vmul.f32 $8.000000000e+00, v6;
	v6 =	vld [tilespmem:s6+$0xFFFFFFC0]  }
0x26a: {  	[tilespmem:s6+$0xFFFFFF60] =	vst v3;
	v2 =	vmul.f32 $8.000000000e+00, v2;
	v3 =	vld [tilespmem:s6+$0xFFFFFFD0]  }
0x26b: {  	[tilespmem:s6+$0xFFFFFF70] =	vst v0;
	v0 =	vmul.f32 $8.000000000e+00, v4;
	v4 =	vld [tilespmem:s6+$0xFFFFFFE0]  }
0x26c: {  	[tilespmem:s6+$0xFFFFFF80] =	vst v2;
	v1 =	vmul.f32 $8.000000000e+00, v1;
	v2 =	vld [tilespmem:s6+$0xFFFFFFF0]  }
0x26d: {  	[tilespmem:s6+$0xFFFFFF90] =	vst v0;
	v0 =	vmul.f32 $8.000000000e+00, v5;
	v5 =	vld [tilespmem:s6+$0x0]  }
0x26e: {  	[tilespmem:s6+$0xFFFFFFA0] =	vst v1;
	v1 =	vmul.f32 $8.000000000e+00, v6;
	v6 =	vld [tilespmem:s6+$0x10]  }
0x26f: {  	[tilespmem:s6+$0xFFFFFFB0] =	vst v0;
	v0 =	vmul.f32 $8.000000000e+00, v3;
	v3 =	vld [tilespmem:s6+$0x20]  }
0x270: {  	[tilespmem:s6+$0xFFFFFFC0] =	vst v1;
	v1 =	vmul.f32 $8.000000000e+00, v4;
	v4 =	vld [tilespmem:s6+$0x30]  }
0x271: {  	[tilespmem:s6+$0xFFFFFFD0] =	vst v0;
	v0 =	vmul.f32 $8.000000000e+00, v2;
	v2 =	vld [tilespmem:s6+$0x40]  }
0x272: {  	[tilespmem:s6+$0xFFFFFFE0] =	vst v1;
	v1 =	vmul.f32 $8.000000000e+00, v5;
	v5 =	vld [tilespmem:s6+$0x50]  }
0x273: {  	[tilespmem:s6+$0xFFFFFFF0] =	vst v0;
	v0 =	vmul.f32 $8.000000000e+00, v6;
	v6 =	vld [tilespmem:s6+$0x60]  }
0x274: {  	[tilespmem:s6+$0x0] =	vst v1;
	v1 =	vmul.f32 $8.000000000e+00, v3;
	v3 =	vld [tilespmem:s6+$0x70]  }
0x275: {  	[tilespmem:s6+$0x10] =	vst v0;
	v0 =	vmul.f32 $8.000000000e+00, v4;
	v4 =	vld [tilespmem:s6+$0x80]  }
0x276: {  	[tilespmem:s6+$0x20] =	vst v1;
	v1 =	vmul.f32 $8.000000000e+00, v2;
	v7 =	vld [tilespmem:s6+$0x90]  }
0x277: {  	[tilespmem:s6+$0x30] =	vst v0;
	v2 =	vmul.f32 $8.000000000e+00, v5;
	v8 =	vld [tilespmem:s6+$0xA0]  }
.Ltmp8:
0x278: {  	[tilespmem:s6+$0x40] =	vst v1;
	v5 =	vmul.f32 $8.000000000e+00, v6;
	v0 =	vld [tilespmem:s6+$0xB0];
	(pc) =	sbr.rel @p0 .LBB2_18-.Ltmp8, $4  }
0x279: {  	[tilespmem:s6+$0x50] =	vst v2;
	v3 =	vmul.f32 $8.000000000e+00, v3;
	v1 =	vld [tilespmem:s6+$0xC0]  }
0x27a: {  	[tilespmem:s6+$0x60] =	vst v5;
	v6 =	vmul.f32 $8.000000000e+00, v4;
	v2 =	vld [tilespmem:s6+$0xD0]  }
0x27b: {  	[tilespmem:s6+$0x70] =	vst v3;
	v5 =	vmul.f32 $8.000000000e+00, v7;
	v3 =	vld [tilespmem:s6+$0xE0]  }
0x27c: {  	s6 =	sadd.s32 $0x200, s6;
	v4 =	vld [tilespmem:s0+$0xFFFFFF00];
	[tilespmem:s0+$0x80] =	vst v6;
	v6 =	vmul.f32 $8.000000000e+00, v8  }
0x27d: {  	[tilespmem:s0+$0x90] =	vst v5;
	v0 =	vmul.f32 $8.000000000e+00, v0  }
0x27e: {  	[tilespmem:s0+$0xA0] =	vst v6;
	v1 =	vmul.f32 $8.000000000e+00, v1  }
0x27f: {  	[tilespmem:s0+$0xB0] =	vst v0;
	v61 =	vmul.f32 $8.000000000e+00, v2  }
0x280: {  	[tilespmem:s0+$0xC0] =	vst v1;
	v62 =	vmul.f32 $8.000000000e+00, v3  }
0x281: {  	v63 =	vmul.f32 $8.000000000e+00, v4;
	[tilespmem:s0+$0xD0] =	vst v61  }
0x282: {  	[tilespmem:s0+$0xE0] =	vst v62  }
0x283: {  	[tilespmem:s0+$0xFFFFFF00] =	vst v63  }
0x284: {  	[hbm4b:s10+s3] =	stream.linear.scatter [tilespmem:s21], [sflag:$0x8], $0x3200, $0x38;
	[tilespmem:$0x12C00] =	vst v63  }
0x285: {  	_ =	swait.ge [sflag:s23], $0x3200  }
0x286: {  	[sflag:s23] =	ssyncset.done $0x0  }
0x287: {  	[sflag:s23] =	ssyncadd.s32 $0xFFFFCE00  }
0x288: {  	_ =	swait.ge [sflag:s25], $0x3200  }
0x289: {  	[sflag:s25] =	ssyncset.done $0x0  }
0x28a: {  	s29 =	sadd.s32 $0x1, s29;
	[sflag:s25] =	ssyncadd.s32 $0xFFFFCE00  }
0x28b: {  	p0 =	sne.s32 s29, s11;
	_ =	swait.ge [sflag:s26], $0x3200  }
.Ltmp9:
0x28c: {  	[sflag:s26] =	ssyncset.done $0x0;
	(pc) =	sbr.rel @p0 .LBB2_1-.Ltmp9, $4  }
0x28d: {  	[sflag:s26] =	ssyncadd.s32 $0xFFFFCE00  }
0x28e: {  	_ =	swait.ge [sflag:s28], $0x3200  }
0x28f: {  	[sflag:s28] =	ssyncset.done $0x0  }
0x290: {  	[sflag:s28] =	ssyncadd.s32 $0xFFFFCE00  }
0x291: {  	_ =	sfence.sel $0x180000  }
0x292: {  	[bflag:$0x0] =	sbarrier.arrive $0xFFFF  }
0x293: {  	_ =	strace $0x90000047  }
0x294: {  	s0 =	stileid.u32;
	[bflag:$0x2] =	sbarrier.arrive $0xFFFF  }
0x295: {  	p0 =	sne.s32 s0, $0x0;
	s0 =	rddreg [dreg:$0x2]  }
0x296: {  	s0 =	sadd.s32 @!p0 $0x100000, s0  }
0x297: {  	[sflag:s0] =	ssyncadd.tile.s32 @!p0 $0x1;
	_ =	shalt  }
.Lfunc_end2:
_tile_overlayer_lowered:
.L_overlay_start_2:
0x298: {  	(tag) =	ssettag $0x2  }
0x299: {  	s0 =	rddreg [dreg:$0x0];
	s2 =	stileid.u32  }
0x29a: {  	s1 =	rddreg [dreg:$0x1];
	p0 =	sne.s32 s2, $0x0  }
0x29b: {  	s3 =	rddreg [dreg:$0x2];
	[bflag:$0x3] =	sbarrier.arrive $0xFFFF;
	s2 =	simm.s32 @!p0 $0x1C09  }
0x29c: {  	[timem:s3], [sflag:s2] =	dma.local @!p0 [hbm:s0], s1  }
0x29d: {  	s0 =	simm.s32 @!p0 $0x9  }
0x29e: {  	_ =	swait.ge @!p0 [sflag:s0], s1  }
0x29f: {  	s1 =	ssub.s32 @!p0 $0x0, s1;
	[sflag:s0] =	ssyncset.done @!p0 $0x0  }
0x2a0: {  	[sflag:s0] =	ssyncadd.s32 @!p0 s1  }
0x2a1: {  	[bflag:$0x3] =	sbarrier.arrive $0xFFFF  }
0x2a2: {  	_ =	shalt  }

// kernel: sparse-core-data-format-call.cloned.1.call-start
scs
called_computation_lowered:
.L_overlay_start_0:
0x0: {  	s2 =	sld [smem:$0x3FD9]  }
0x1: {  	s3 =	sld [smem:$0x3FFE];
	_ =	sdelay $0x1  }
0x2: {  	s1 =	srdreg.scid  }
0x3: {  	s0 =	sand.u32 $0x1, s1  }
0x4: {  	s18 =	sshll.u32 s0, $0xA;
	s2 =	sadd.s32 s3, s2  }
0x5: {  	s2 =	sadd.s32 s2, s18  }
0x6: {  	[smem:$0x3FC6] =	sst s2  }
0x7: {  	_ = 	snop  }
0x8: {  	s2 =	sld [smem:$0x3FD0];
	(tm) =	ssettm $0x1  }
0x9: {  	s19 =	sld [smem:$0x3FFB];
	_ =	sdelay $0x3  }
0xa: {  	_ =	strace s19  }
0xb: {  	s3 =	sld [smem:$0x3FFC];
	_ =	sdelay $0x3  }
0xc: {  	_ =	strace s3  }
0xd: {  	s3 =	sld [smem:$0x3FFD];
	_ =	sdelay $0x3  }
0xe: {  	_ =	strace s3  }
0xf: {  	_ =	strace $0x8FFFFFFF  }
0x10: {  	s20 =	sld [smem:$0x3FDB];
	_ =	sdelay $0x1  }
0x11: {  	s4 =	simm.s32 $_scs_section_size  }
0x12: {  	s5 =	simm.s32 $_size__tile_overlayer_lowered;
	s6 =	simm.s32 $_tile_overlayer_lowered  }
0x13: {  	s23 =	simm.s32 $0x1BFF;
	s22 =	sshll.u32 s6, $0x1;
	s3 =	sadd.s32 s4, s20  }
0x14: {  	s7 =	simm.s32 $0x0;
	s21 =	sshll.u32 s5, $0x1;
	s5 =	sadd.s32 s22, s3  }
0x15: {  	[timem:s7], [sflag:s23] =	dma.local [hbm:s5], s21  }
0x16: {  	_ =	swait.ge [sflag:s23], s21  }
0x17: {  	s4 =	ssub.s32 $0x0, s21;
	[sflag:s23] =	ssyncset.done $0x0  }
0x18: {  	[sflag:s23] =	ssyncadd.s32 s4;
	_ =	sdelay $0x1  }
0x19: {  	s24 =	simm.s32 $0x1B8B  }
0x1a: {  	_ =	swait.ge [sflag:s24], $0x1  }
0x1b: {  	[sflag:s24] =	ssyncset.done $0x0  }
0x1c: {  	s26 =	simm.s32 $0x1B8E;
	s25 =	sld [smem:$0x3FFE];
	[sflag:s24] =	ssyncadd.s32 $0xFFFFFFFF  }
0x1d: {  	s27 =	simm.s32 $execute0_lowered;
	[smem:$0x3FD2] =	sst s26  }
0x1e: {  	s5 =	sshll.u32 s27, $0x1;
	_ =	strace $0x80000049;
	[dreg:$0x1] =	wrdreg $0xFFFFFFFF  }
0x1f: {  	s28 =	simm.s32 $_size_execute0_lowered;
	s3 =	sadd.s32 s3, s5;
	[dreg:$0x0] =	wrdreg $0x0  }
0x20: {  	s5 =	sshll.u32 s28, $0x1;
	[dreg:$0x2] =	wrdreg s3  }
0x21: {  	[dreg:$0x3] =	wrdreg s5  }
0x22: {  	[dreg:$0x4] =	wrdreg $0xC0  }
0x23: {  	_ =	task [dreg:s7], $0x5FFFF  }
0x24: {  	[dreg:$0x1] =	wrdreg $0xFFFFFFFF  }
0x25: {  	[dreg:$0x0] =	wrdreg $0x60  }
0x26: {  	[dreg:$0x2] =	wrdreg s25  }
0x27: {  	[dreg:$0x3] =	wrdreg s2  }
0x28: {  	[dreg:$0x4] =	wrdreg $0x9  }
0x29: {  	_ =	task.clear_ibuf [dreg:s7], $0x5FFFF;
	_ =	strace $0x90000049  }
0x2a: {  	s29 =	simm.s32 $0x9;
	_ =	strace $0x8000004B  }
0x2b: {  	_ =	swait.ge [sflag:s29], $0x1  }
0x2c: {  	[sflag:s29] =	ssyncadd.s32 $0xFFFFFFFF  }
0x2d: {  	_ =	strace $0x9000004B  }
0x2e: {  	_ =	sfence  }
0x2f: {  	s30 =	sld [smem:$0x0];
	_ =	sdelay $0x2  }
0x30: {  	s31 =	sshll.u32 s1, $0xD;
	s1 =	sshrl.u32 s1, $0x2  }
0x31: {  	s3 =	sand.u32 $0x4000, s31;
	s1 =	sadd.s32 s1, s30  }
0x32: {  	s0 =	sor.u32 s3, s0;
	s1 =	sshll.u32 s1, $0x11  }
0x33: {  	s0 =	sor.u32 s1, s0  }
0x34: {  	s0 =	sadd.s32 $0x8F2B, s0  }
0x35: {  	[sflag:s0] =	ssyncadd.remote.s32 $0x1  }
0x36: {  	_ =	sfence.sel $0xFFFF  }
0x37: {  	[dreg:$0x0] =	wrdreg $0xFFFFFFFF;
	(pc) =	sbr.abs _section_cstart, $3  }
0x38: {  	[dreg:$0x1] =	wrdreg $0xFFFFFFFF  }
0x39: {  	_ =	task.clear_ibuf [dreg:s7], $0x2FFFF;
	_ =	strace $0x9FFFFFFF  }
0x3a: {  	(tm) =	ssettm $0x7FFFFFFF  }
0x3b: {  	_ =	shalt  }
tec
execute0_lowered:
.L_overlay_start_1:
0x0: {  	(tag) =	ssettag $0x1  }
0x1: {  	s0 =	srdreg.scid  }
0x2: {  	s1 =	sshll.u32 s0, $0x4  }
0x3: {  	s0 =	stileid.u32;
	s1 =	sand.u32 $0x10, s1  }
0x4: {  	s1 =	sor.u32 s0, s1  }
0x5: {  	s6 =	rddreg [dreg:$0x0];
	s4 =	simm.s32 $0x1;
	s2 =	sshll.u32 s1, $0x7  }
0x6: {  	s7 =	simm.s32 $0x2;
	s12 =	simm.s32 $0x0;
	s1 =	ssub.s32 $0x1000, s2  }
0x7: {  	s8 =	simm.s32 $0x8000;
	s13 =	simm.s32 $0x0;
	s3 =	sand.u32 $0xF80, s1  }
0x8: {  	s9 =	simm.s32 $0x0;
	s5 =	sshrl.u32 s1, $0xC;
	p0 =	sne.s32 s3, $0x0  }
.Ltmp0:
0x9: {  	s1 =	rddreg [dreg:$0x2];
	s4 =	simm.s32 @!p0 $0x0;
	(pc) =	sbr.rel .LBB1_1-.Ltmp0, $4  }
0xa: {  	s11 =	simm.s32 $0x0;
	s3 =	rddreg [dreg:$0x1];
	s5 =	sadd.s32 s4, s5  }
0xb: {  	_ =	strace $0x8000004A;
	s4 =	simm.s32 $0x1;
	s5 =	smul.u32 $0xC8, s5  }
0xc: {  	s6 =	sadd.s32 $0xA00, s6;
	s10 =	smov.u32 s2;
	[sflag:s4] =	ssyncpa.u1 $0x0  }
0xd: {  	p0 =	por $0x0, $0x0;
	[sflag:s7] =	ssyncpa.u1 $0x0;
	s7 =	sor.u32 $0x1, s5  }
.LBB1_4:
0xe: {  	s16 =	sshll.u32 s13, $0x3;
	s17 =	sand.u32 $0x78, s13  }
0xf: {  	s30 =	sand.u32 $0x7E00, s13;
	s12 =	sshll.u32 s12, $0xF;
	s16 =	sand.u32 $0xC00, s16  }
0x10: {  	[tilespmem:s15+$0x810 ss:$0x81] =	vst.msk $0xffff, v2;
	s31 =	sand.u32 $0x7, s13;
	s16 =	sor.u32 s17, s16;
	s17 =	sadd.s32 s3, s30  }
0x11: {  	[tilespmem:s15+$0x1020 ss:$0x81] =	vst.msk $0xffff, v0;
	s13 =	sshll.u32 s31, $0x12;
	s12 =	sadd.s32 s12, s17;
	s16 =	sshrl.u32 s16, $0x3  }
0x12: {  	[tilespmem:s15+$0x0 ss:$0x81] =	vst.msk $0xffff, v1;
	s13 =	sor.u32 $0x400, s13;
	s12 =	sadd.s32 s16, s12  }
0x13: {  	[hbm4b:s12+s13] =	stream.strided.scatter [tilespmem:s14], [sflag:$0x2], $0x2000, s8, s13, $0x20;
	[tilespmem:$0x8080] =	vst v63  }
.LBB1_5:
0x14: {  	s14 =	sadd.s32 $0x1, s9  }
0x15: {  	s12 =	sadd.s32 $0x1000, s10;
	s16 =	smov.u32 s10;
	p2 =	sgt.s32 s14, $0xC7  }
0x16: {  	s16 =	smov.u32 @p2 s12  }
0x17: {  	s14 =	simm.s32 @p2 $0x0;
	p2 =	sgt.s32 s16, $0xFFF  }
0x18: {  	s16 =	smov.u32 @p2 s2;
	p2 =	sne.s32 s11, s7  }
.Ltmp1:
0x19: {  	p1 =	slt.u32 s11, $0x2;
	(pc) =	sbr.rel @!p2 .LBB1_6-.Ltmp1, $4  }
0x1a: {  	s15 =	simm.s32 @!p1 $0x2  }
0x1b: {  	s13 =	smov.u32 s10;
	p0 =	por !p0, !p0;
	_ =	swait.ge @!p1 [sflag:s15], $0x2000  }
0x1c: {  	s12 =	smov.u32 s9;
	[sflag:s15] =	ssyncset.done @!p1 $0x0;
	s9 =	smov.u32 s14  }
0x1d: {  	s11 =	sadd.s32 $0x1, s11;
	[sflag:s15] =	ssyncadd.s32 @!p1 $0xFFFFE000;
	s10 =	smov.u32 s16  }
.LBB1_1:
0x1e: {  	p1 =	sge.u32 s11, s5  }
0x1f: {  	s14 =	sand.u32 @!p1 $0x1FFFFFF, s9  }
0x20: {  	s15 =	smulhi.u32 @!p1 $0x147AE15, s14;
	_ =	sdelay $0x1  }
0x21: {  	s15 =	smul.u32 @!p1 $0xC8, s15  }
0x22: {  	s16 =	sxor.u32 @!p1 $0xFFFFFFFF, s11;
	s17 =	smul.u32 @!p1 $0xC80, s10  }
0x23: {  	s31 =	sadd.s32 $0xFFFFFFFF, s11;
	s16 =	sshll.u32 @!p1 s16, $0xD;
	s14 =	ssub.s32 @!p1 s14, s15  }
0x24: {  	s15 =	sand.u32 @!p1 $0x2000, s16;
	s16 =	sadd.s32 @!p1 s6, s17;
	s14 =	sshll.u32 @!p1 s14, $0x4  }
0x25: {  	s17 =	simm.s32 @!p1 $0x6400;
	s14 =	sadd.s32 @!p1 s14, s16;
	s16 =	simm.s32 @!p1 $0x40  }
0x26: {  	[tilespmem:s15], [sflag:$0x1] =	stream.strided.gather @!p1 [hbm4b:s14+s16], $0x2000, s17, s16, $0x38;
	[tilespmem:$0x8080] =	vst v63  }
0x27: {  	p1 =	sge.u32 s31, s5  }
.Ltmp2:
0x28: {  	_ = 	snop;
	(pc) =	sbr.rel @p1 .LBB1_5-.Ltmp2, $1  }
0x29: {  	_ =	sdelay $0x3  }
0x2a: {  	s14 =	simm.s32 $0x1  }
0x2b: {  	_ =	swait.ge [sflag:s4], $0x2000;
	s14 =	simm.s32 @!p0 $0x0  }
0x2c: {  	[sflag:s4] =	ssyncset.done $0x0;
	s15 =	sshll.u32 s14, $0xD  }
0x2d: {  	[sflag:s4] =	ssyncadd.s32 $0xFFFFE000;
	s18 =	sor.u32 $0x20, s15  }
0x2e: {  	s14 =	smul.u32 $0x8100, s14;
	v3 =	vld [tilespmem:s18+$0x10]  }
0x2f: {  	s30 =	sand.u32 $0x1, s11;
	v2 =	vld [tilespmem:s18+$0xFFFFFFF0]  }
0x30: {  	s15 =	smul.u32 $0x8100, s30;
	s14 =	sshrl.u32 s14, $0x2;
	v0 =	vld [tilespmem:s18+$0x0]  }
0x31: {  	v1 =	vld [tilespmem:s18+$0xFFFFFFE0];
	s16 =	sor.u32 $0x4000, s14  }
0x32: {  	s31 =	sshrl.u32 s15, $0x2;
	s15 =	sadd.s32 $0x0, s16  }
0x33: {  	s17 =	simm.s32 $0x4;
	s18 =	sadd.s32 $0x40, s18;
	s14 =	sor.u32 $0x4000, s31;
	[tilespmem:s15+$0x1830 ss:$0x81] =	vst.msk $0xffff, v3  }
.LBB1_3:
0x34: {  	v3 =	vld [tilespmem:s18+$0x10];
	p1 =	sne.s32 s17, $0x1FC;
	[tilespmem:s15+$0x810 ss:$0x81] =	vst.msk $0xffff, v2;
	s19 =	smov.u32 s17;
	s17 =	sadd.s32 $0x4, s17  }
.Ltmp3:
0x35: {  	v2 =	vld [tilespmem:s18+$0xFFFFFFF0];
	[tilespmem:s15+$0x1020 ss:$0x81] =	vst.msk $0xffff, v0;
	(pc) =	sbr.rel @p1 .LBB1_3-.Ltmp3, $4  }
0x36: {  	v0 =	vld [tilespmem:s18+$0x0];
	[tilespmem:s15+$0x0 ss:$0x81] =	vst.msk $0xffff, v1  }
0x37: {  	s15 =	sshra.s32 s19, $0x2;
	v1 =	vld [tilespmem:s18+$0xFFFFFFE0]  }
0x38: {  	s15 =	sadd.s32 s15, s16  }
0x39: {  	s18 =	sadd.s32 $0x40, s18;
	[tilespmem:s15+$0x1830 ss:$0x81] =	vst.msk $0xffff, v3  }
.Ltmp4:
0x3a: {  	_ = 	snop;
	(pc) =	sbr.rel .LBB1_4-.Ltmp4, $1  }
0x3b: {  	_ =	sdelay $0x3  }
.LBB1_6:
0x3c: {  	_ =	sfence.sel $0x180000  }
0x3d: {  	s2 =	simm.s32 $0x1;
	[bflag:$0x0] =	sbarrier.arrive $0xFFFF  }
0x3e: {  	s31 =	simm.s32 $0x2;
	[sflag:s2] =	ssyncpa.u1 $0x1  }
0x3f: {  	[sflag:s31] =	ssyncpa.u1 $0x1  }
0x40: {  	p0 =	sne.s32 s0, $0x0;
	_ =	strace $0x9000004A  }
0x41: {  	s0 =	sadd.s32 @!p0 $0x100000, s1;
	[bflag:$0x2] =	sbarrier.arrive $0xFFFF  }
0x42: {  	[sflag:s0] =	ssyncadd.tile.s32 @!p0 $0x1;
	_ =	shalt  }
.Lfunc_end1:
_tile_overlayer_lowered:
.L_overlay_start_2:
0x43: {  	(tag) =	ssettag $0x2  }
0x44: {  	s0 =	rddreg [dreg:$0x0];
	s2 =	stileid.u32  }
0x45: {  	s1 =	rddreg [dreg:$0x1];
	p0 =	sne.s32 s2, $0x0  }
0x46: {  	s3 =	rddreg [dreg:$0x2];
	[bflag:$0x3] =	sbarrier.arrive $0xFFFF;
	s2 =	simm.s32 @!p0 $0x1C01  }
0x47: {  	[timem:s3], [sflag:s2] =	dma.local @!p0 [hbm:s0], s1  }
0x48: {  	s0 =	simm.s32 @!p0 $0x1  }
0x49: {  	_ =	swait.ge @!p0 [sflag:s0], s1  }
0x4a: {  	s1 =	ssub.s32 @!p0 $0x0, s1;
	[sflag:s0] =	ssyncset.done @!p0 $0x0  }
0x4b: {  	[sflag:s0] =	ssyncadd.s32 @!p0 s1  }
0x4c: {  	[bflag:$0x3] =	sbarrier.arrive $0xFFFF  }
0x4d: {  	_ =	shalt  }

</sc_bundles>
